<compile_context>
chip_gen: v7x
topology: tpu7x:2x2x1
jax: 0.10.2.dev20260603
libtpu: 0.0.44.dev20260713+nightly
codegen_flags: <defaults>
</compile_context>

<pallas_src>
import math

import jax
import jax.numpy as jnp
from jax import lax
from jax.experimental import pallas as pl
from jax.experimental.pallas import tpu as pltpu
from jax.experimental.pallas import tpu_sc as plsc

B = 4096
CD = 128
NPOS = 1024
HID = 3584
NSLOT = 6
BM = 512
PK = CD // 2
TROWS = 4 * NPOS

NCHK = 2
BC = B // NCHK
NWORK = 32
NSUB = 16
TOTC = NSLOT * BC
RPW = BC // NWORK
BPW = TOTC // NWORK
GCH = 128
NCH = BPW // GCH
LANES = 16


def _make_sc_body(chunk):
    def _sc_body(bbox_hbm, table_hbm, out_hbm,
                 bb_v, idx_v, rows_v, shared_tab, tsem, gsem, osem):
        cid = lax.axis_index("c")
        sid = lax.axis_index("s")
        wid = sid * 2 + cid
        trows = TROWS // NSUB
        tstage = pltpu.async_copy(
            table_hbm.at[pl.ds(sid * trows, trows)],
            shared_tab.at[pl.ds(sid * trows, trows)],
            tsem,
        )
        pltpu.sync_copy(bbox_hbm.at[pl.ds(chunk * BC + wid * RPW, RPW)], bb_v)
        lane = lax.iota(jnp.int32, LANES)
        for blk in range(RPW // LANES):
            rowids = lane + blk * LANES
            coords = []
            for c in range(4):
                v = plsc.load_gather(bb_v, [rowids, jnp.full((LANES,), c, jnp.int32)])
                coords.append(jnp.clip((v * 1023.0).astype(jnp.int32), 0, 1023))
            x0, y0, x1, y1 = coords
            w = jnp.clip(x1 - x0, 0, 1023)
            h = jnp.clip(y1 - y0, 0, 1023)
            pos = rowids * NSLOT
            plsc.store_scatter(idx_v, [pos], x0)
            plsc.store_scatter(idx_v, [pos + 1], y0 + NPOS)
            plsc.store_scatter(idx_v, [pos + 2], x1)
            plsc.store_scatter(idx_v, [pos + 3], y1 + NPOS)
            plsc.store_scatter(idx_v, [pos + 4], w + 2 * NPOS)
            plsc.store_scatter(idx_v, [pos + 5], h + 3 * NPOS)
        tstage.wait()
        plsc.subcore_barrier()
        gcopies = []
        for j in range(NCH):
            gcopies.append(
                pltpu.async_copy(
                    shared_tab.at[idx_v.at[pl.ds(j * GCH, GCH)]],
                    rows_v.at[pl.ds(j * GCH, GCH)],
                    gsem,
                )
            )
        ocopies = []
        for j in range(NCH):
            gcopies[j].wait()
            ocopies.append(
                pltpu.async_copy(
                    rows_v.at[pl.ds(j * GCH, GCH)],
                    out_hbm.at[pl.ds(wid * BPW + j * GCH, GCH)],
                    osem,
                )
            )
        for c in ocopies:
            c.wait()
    return _sc_body


def _sc_gather_chunk(bbox, packed_tables, chunk):
    mesh = plsc.VectorSubcoreMesh(core_axis_name="c", subcore_axis_name="s")
    return pl.kernel(
        _make_sc_body(chunk),
        out_type=jax.ShapeDtypeStruct((TOTC, PK), jnp.float32),
        mesh=mesh,
        scratch_types=[
            pltpu.VMEM((RPW, 4), jnp.float32),
            pltpu.VMEM((BPW,), jnp.int32),
            pltpu.VMEM((BPW, PK), jnp.float32),
            pltpu.VMEM_SHARED((TROWS, PK), jnp.float32),
            pltpu.SemaphoreType.DMA,
            pltpu.SemaphoreType.DMA,
            pltpu.SemaphoreType.DMA,
        ],
        compiler_params=pltpu.CompilerParams(
            use_tc_tiling_on_sc=False, needs_layout_passes=False
        ),
    )(bbox, packed_tables)


def _proj_body(g_ref, wlo_ref, whi_ref, gam_ref, bet_ref, o_ref):
    u = lax.bitcast_convert_type(g_ref[...], jnp.int32)
    lo = lax.bitcast_convert_type(u << 16, jnp.float32).astype(jnp.bfloat16)
    hi = lax.bitcast_convert_type(u & jnp.int32(-65536), jnp.float32).astype(jnp.bfloat16)
    hi = jnp.concatenate([hi, jnp.ones((BM, 1), jnp.bfloat16)], axis=1)
    dn = (((1,), (0,)), ((), ()))
    z = lax.dot_general(lo, wlo_ref[...], dn, preferred_element_type=jnp.float32)
    z = z + lax.dot_general(hi, whi_ref[...], dn, preferred_element_type=jnp.float32)
    mu = jnp.mean(z, axis=1, keepdims=True)
    ms = jnp.mean(z * z, axis=1, keepdims=True)
    inv = lax.rsqrt(ms - mu * mu + 1e-5)
    zn = (z - mu) * inv * gam_ref[...] + bet_ref[...]
    o_ref[...] = zn * 0.5 * (1.0 + lax.erf(zn * (1.0 / math.sqrt(2.0))))


def _proj_chunk0(g, w_lo, w_hi, ln_gamma, ln_beta):
    return pl.pallas_call(
        _proj_body,
        grid=(BC // BM,),
        in_specs=[
            pl.BlockSpec((BM, NSLOT * PK), lambda i: (i, 0)),
            pl.BlockSpec((NSLOT * PK, HID), lambda i: (0, 0)),
            pl.BlockSpec((NSLOT * PK + 1, HID), lambda i: (0, 0)),
            pl.BlockSpec((1, HID), lambda i: (0, 0)),
            pl.BlockSpec((1, HID), lambda i: (0, 0)),
        ],
        out_specs=pl.BlockSpec((BM, HID), lambda i: (i, 0)),
        out_shape=jax.ShapeDtypeStruct((B, HID), jnp.float32),
        compiler_params=pltpu.CompilerParams(dimension_semantics=("parallel",)),
    )(g, w_lo, w_hi, ln_gamma, ln_beta)


def _proj_body1(g_ref, wlo_ref, whi_ref, gam_ref, bet_ref, prev_ref, o_ref):
    del prev_ref
    _proj_body(g_ref, wlo_ref, whi_ref, gam_ref, bet_ref, o_ref)


def _proj_chunk1(g, w_lo, w_hi, ln_gamma, ln_beta, prev):
    nblk = BC // BM
    return pl.pallas_call(
        _proj_body1,
        grid=(nblk,),
        in_specs=[
            pl.BlockSpec((BM, NSLOT * PK), lambda i: (i, 0)),
            pl.BlockSpec((NSLOT * PK, HID), lambda i: (0, 0)),
            pl.BlockSpec((NSLOT * PK + 1, HID), lambda i: (0, 0)),
            pl.BlockSpec((1, HID), lambda i: (0, 0)),
            pl.BlockSpec((1, HID), lambda i: (0, 0)),
            pl.BlockSpec(memory_space=pl.ANY),
        ],
        out_specs=pl.BlockSpec((BM, HID), lambda i: (i + nblk, 0)),
        out_shape=jax.ShapeDtypeStruct((B, HID), jnp.float32),
        input_output_aliases={5: 0},
        compiler_params=pltpu.CompilerParams(dimension_semantics=("parallel",)),
    )(g, w_lo, w_hi, ln_gamma, ln_beta, prev)


def kernel(bbox, x_table, y_table, w_table, h_table, proj_W, proj_b, ln_gamma, ln_beta):
    tables = jnp.concatenate(
        [x_table, y_table, w_table, h_table], axis=0
    ).astype(jnp.bfloat16)
    packed_tables = lax.bitcast_convert_type(
        tables.reshape(TROWS, PK, 2), jnp.float32
    )
    w_pair = proj_W.astype(jnp.bfloat16).reshape(NSLOT * PK, 2, HID)
    w_lo = w_pair[:, 0]
    w_hi = jnp.concatenate(
        [w_pair[:, 1], proj_b.astype(jnp.bfloat16).reshape(1, HID)], axis=0
    )
    lg = ln_gamma.reshape(1, HID)
    lb = ln_beta.reshape(1, HID)
    g0 = _sc_gather_chunk(bbox, packed_tables, 0).reshape(BC, NSLOT * PK)
    g1 = _sc_gather_chunk(bbox, packed_tables, 1).reshape(BC, NSLOT * PK)
    o = _proj_chunk0(g0, w_lo, w_hi, lg, lb)
    return _proj_chunk1(g1, w_lo, w_hi, lg, lb, o)

# --- scband reference (transcript-rebuilt; emitter-appended) ---
"""Pipeline reference for scband-layout-lmv3-layout-embedding-35991825940865 (READ-ONLY COPY).

The authoritative reference and input builder live on the scoring server;
editing this copy changes nothing except your own understanding.
"""

import jax, jax.numpy as jnp
import numpy as np

B = 4096
COORD_DIM = 128  # LayoutLMv3-base coordinate_size / shape_size
NUM_POS = 1024
HIDDEN = 3584

def setup_inputs(seed: int = 0) -> dict:
    key = jax.random.key(seed)
    ks = jax.random.split(key, 10)
    bbox = jax.random.uniform(ks[0], (B, 4), dtype=jnp.float32)  # normalized coords in [0,1], page_w=page_h=1.0
    x_table = jax.random.normal(ks[1], (NUM_POS, COORD_DIM), dtype=jnp.float32) * 0.02
    y_table = jax.random.normal(ks[2], (NUM_POS, COORD_DIM), dtype=jnp.float32) * 0.02
    w_table = jax.random.normal(ks[3], (NUM_POS, COORD_DIM), dtype=jnp.float32) * 0.02
    h_table = jax.random.normal(ks[4], (NUM_POS, COORD_DIM), dtype=jnp.float32) * 0.02
    proj_W = jax.random.normal(ks[5], (COORD_DIM * 6, HIDDEN), dtype=jnp.float32) * 0.02
    proj_b = jnp.zeros((HIDDEN,), dtype=jnp.float32)
    ln_gamma = jnp.ones((HIDDEN,), dtype=jnp.float32)
    ln_beta = jnp.zeros((HIDDEN,), dtype=jnp.float32)
    return {"bbox": bbox, "x_table": x_table, "y_table": y_table, "w_table": w_table,
            "h_table": h_table, "proj_W": proj_W, "proj_b": proj_b,
            "ln_gamma": ln_gamma, "ln_beta": ln_beta}

def reference(bbox, x_table, y_table, w_table, h_table, proj_W, proj_b, ln_gamma, ln_beta):
    # _normalize_bbox_to_1024: scale to 0-1023, truncate to int, clamp
    scaled = jnp.clip((bbox * 1023.0).astype(jnp.int32), 0, 1023)
    x0 = scaled[:, 0]; y0 = scaled[:, 1]; x1 = scaled[:, 2]; y1 = scaled[:, 3]
    w = jnp.clip(x1 - x0, 0, 1023)
    h = jnp.clip(y1 - y0, 0, 1023)
    # embedding gathers (SparseCore-friendly)
    x0_emb = jnp.take(x_table, x0, axis=0)
    y0_emb = jnp.take(y_table, y0, axis=0)
    x1_emb = jnp.take(x_table, x1, axis=0)
    y1_emb = jnp.take(y_table, y1, axis=0)
    w_emb = jnp.take(w_table, w, axis=0)
    h_emb = jnp.take(h_table, h, axis=0)
    emb = jnp.concatenate([x0_emb, y0_emb, x1_emb, y1_emb, w_emb, h_emb], axis=-1)  # [B, 768]
    # projection: Linear -> LayerNorm -> GELU (exact)
    z = emb @ proj_W + proj_b
    mu = jnp.mean(z, axis=-1, keepdims=True)
    var = jnp.var(z, axis=-1, keepdims=True)
    z = (z - mu) / jnp.sqrt(var + 1e-5) * ln_gamma + ln_beta
    return jax.nn.gelu(z, approximate=False)

if __name__ == "__main__":
    import jax
    _d = setup_inputs()
    print(jax.jit(kernel)(*tuple(_d.values())))

</pallas_src>

<mosaic_0001>
#map = affine_map<(d0, d1) -> (0, 0)>
module attributes {stable_mosaic.version = 14 : i64} {
  func.func @_sc_body(%arg0: i32, %arg1: i32, %arg2: memref<4096x4xf32, #tpu.memory_space<hbm>>, %arg3: memref<4096x64xf32, #tpu.memory_space<hbm>>, %arg4: memref<12288x64xf32, #tpu.memory_space<hbm>>, %arg5: memref<64x4xf32, #tpu.memory_space<vmem>>, %arg6: memref<384xi32, #tpu.memory_space<vmem>>, %arg7: memref<384x64xf32, #tpu.memory_space<vmem>>, %arg8: memref<4096x64xf32, #tpu.memory_space<vmem_shared>>, %arg9: memref<!tpu.dma_semaphore, #tpu.memory_space<semaphore_mem>>, %arg10: memref<!tpu.dma_semaphore, #tpu.memory_space<semaphore_mem>>, %arg11: memref<!tpu.dma_semaphore, #tpu.memory_space<semaphore_mem>>) attributes {dimension_semantics = [#tpu.dimension_semantics<core_parallel>, #tpu.dimension_semantics<subcore_parallel>], iteration_bounds = array<i64: 2, 16>, scalar_prefetch = 0 : i64, scratch_operands = 7 : i64, tpu.core_type = #tpu.core_type<sc_vector_subcore>, window_params = [{transform_indices = #map}, {transform_indices = #map}, {transform_indices = #map}]} {
    %mul3A = arith.constant 2 : i32
    %mul3A_0 = arith.muli %arg1, %mul3A : i32
    %add3A = arith.addi %mul3A_0, %arg0 : i32
    %mul3A_1 = arith.constant 256 : i32
    %mul3A_2 = arith.muli %arg1, %mul3A_1 : i32
    %mul3A_3 = arith.constant 256 : i32
    %mul3A_4 = arith.muli %arg1, %mul3A_3 : i32
    %dma_start3A = arith.constant 0 : i32
    %dma_start3A_5 = tpu.memref_slice %arg8[%mul3A_4, %dma_start3A] : memref<4096x64xf32, #tpu.memory_space<vmem_shared>> -> memref<256x64xf32, #tpu.memory_space<vmem_shared>>
    %dma_start3A_6 = arith.constant 0 : i32
    %dma_start3A_7 = tpu.memref_slice %arg3[%mul3A_2, %dma_start3A_6] : memref<4096x64xf32, #tpu.memory_space<hbm>> -> memref<256x64xf32, #tpu.memory_space<hbm>>
    tpu.enqueue_dma source(%dma_start3A_7 : memref<256x64xf32, #tpu.memory_space<hbm>>) target(%dma_start3A_5 : memref<256x64xf32, #tpu.memory_space<vmem_shared>>) target_semaphore(%arg9 : memref<!tpu.dma_semaphore, #tpu.memory_space<semaphore_mem>>)
    %mul3A_8 = arith.constant 64 : i32
    %mul3A_9 = arith.muli %add3A, %mul3A_8 : i32
    %add3A_10 = arith.constant 0 : i32
    %add3A_11 = arith.addi %add3A_10, %mul3A_9 : i32
    "tpu.region"() ({
      %run_scoped3A = tpu.sem_alloc : memref<!tpu.dma_semaphore, #tpu.memory_space<semaphore_mem>>
      %dma_start3A_524 = arith.constant 0 : i32
      %dma_start3A_525 = tpu.memref_slice %arg2[%add3A_11, %dma_start3A_524] : memref<4096x4xf32, #tpu.memory_space<hbm>> -> memref<64x4xf32, #tpu.memory_space<hbm>>
      %dma_start3A_526 = arith.constant 0 : i32
      %dma_start3A_527 = tpu.memref_slice %arg2[%add3A_11, %dma_start3A_526] : memref<4096x4xf32, #tpu.memory_space<hbm>> -> memref<64x4xf32, #tpu.memory_space<hbm>>
      tpu.enqueue_dma source(%dma_start3A_527 : memref<64x4xf32, #tpu.memory_space<hbm>>) target(%arg5 : memref<64x4xf32, #tpu.memory_space<vmem>>) target_semaphore(%run_scoped3A : memref<!tpu.dma_semaphore, #tpu.memory_space<semaphore_mem>>)
      %dma_wait3A_528 = arith.constant 0 : i32
      %dma_wait3A_529 = tpu.memref_slice %arg2[%add3A_11, %dma_wait3A_528] : memref<4096x4xf32, #tpu.memory_space<hbm>> -> memref<64x4xf32, #tpu.memory_space<hbm>>
      %dma_wait3A_530 = arith.constant 0 : i32
      %dma_wait3A_531 = tpu.memref_slice %arg2[%add3A_11, %dma_wait3A_530] : memref<4096x4xf32, #tpu.memory_space<hbm>> -> memref<64x4xf32, #tpu.memory_space<hbm>>
      tpu.wait_dma2 semaphore(%run_scoped3A : memref<!tpu.dma_semaphore, #tpu.memory_space<semaphore_mem>>) src(%dma_wait3A_531 : memref<64x4xf32, #tpu.memory_space<hbm>>) dst(%arg5 : memref<64x4xf32, #tpu.memory_space<vmem>>)
      tpu.yield
    }) : () -> ()
    %iota3A = tpu.iota {dimensions = array<i32: 0>} : vector<16xi32>
    %add3A_12 = arith.constant 0 : i32
    %add3A_13 = vector.broadcast %add3A_12 : i32 to vector<16xi32>
    %add3A_14 = arith.addi %iota3A, %add3A_13 : vector<16xi32>
    %broadcast_in_dim3A = arith.constant 0 : i32
    %broadcast_in_dim3A_15 = vector.broadcast %broadcast_in_dim3A : i32 to vector<16xi32>
    %gather3A = tpu.vector_load_idx %arg5[%add3A_14, %broadcast_in_dim3A_15] : memref<64x4xf32, #tpu.memory_space<vmem>>[vector<16xi32>, vector<16xi32>], vector<16xf32>,
    %mul3A_16 = arith.constant 1.023000e+03 : f32
    %mul3A_17 = vector.broadcast %mul3A_16 : f32 to vector<16xf32>
    %mul3A_18 = arith.mulf %gather3A, %mul3A_17 : vector<16xf32>
    %convert_element_type3A = arith.fptosi %mul3A_18 : vector<16xf32> to vector<16xi32>
    %jit3A = arith.constant 0 : i32
    %jit3A_19 = arith.constant 1023 : i32
    %max3A = vector.broadcast %jit3A : i32 to vector<16xi32>
    %max3A_20 = arith.maxsi %max3A, %convert_element_type3A : vector<16xi32>
    %min3A = vector.broadcast %jit3A_19 : i32 to vector<16xi32>
    %min3A_21 = arith.minsi %min3A, %max3A_20 : vector<16xi32>
    %broadcast_in_dim3A_22 = arith.constant 1 : i32
    %broadcast_in_dim3A_23 = vector.broadcast %broadcast_in_dim3A_22 : i32 to vector<16xi32>
    %gather3A_24 = tpu.vector_load_idx %arg5[%add3A_14, %broadcast_in_dim3A_23] : memref<64x4xf32, #tpu.memory_space<vmem>>[vector<16xi32>, vector<16xi32>], vector<16xf32>,
    %mul3A_25 = arith.constant 1.023000e+03 : f32
    %mul3A_26 = vector.broadcast %mul3A_25 : f32 to vector<16xf32>
    %mul3A_27 = arith.mulf %gather3A_24, %mul3A_26 : vector<16xf32>
    %convert_element_type3A_28 = arith.fptosi %mul3A_27 : vector<16xf32> to vector<16xi32>
    %jit3A_29 = arith.constant 0 : i32
    %jit3A_30 = arith.constant 1023 : i32
    %max3A_31 = vector.broadcast %jit3A_29 : i32 to vector<16xi32>
    %max3A_32 = arith.maxsi %max3A_31, %convert_element_type3A_28 : vector<16xi32>
    %min3A_33 = vector.broadcast %jit3A_30 : i32 to vector<16xi32>
    %min3A_34 = arith.minsi %min3A_33, %max3A_32 : vector<16xi32>
    %broadcast_in_dim3A_35 = arith.constant 2 : i32
    %broadcast_in_dim3A_36 = vector.broadcast %broadcast_in_dim3A_35 : i32 to vector<16xi32>
    %gather3A_37 = tpu.vector_load_idx %arg5[%add3A_14, %broadcast_in_dim3A_36] : memref<64x4xf32, #tpu.memory_space<vmem>>[vector<16xi32>, vector<16xi32>], vector<16xf32>,
    %mul3A_38 = arith.constant 1.023000e+03 : f32
    %mul3A_39 = vector.broadcast %mul3A_38 : f32 to vector<16xf32>
    %mul3A_40 = arith.mulf %gather3A_37, %mul3A_39 : vector<16xf32>
    %convert_element_type3A_41 = arith.fptosi %mul3A_40 : vector<16xf32> to vector<16xi32>
    %jit3A_42 = arith.constant 0 : i32
    %jit3A_43 = arith.constant 1023 : i32
    %max3A_44 = vector.broadcast %jit3A_42 : i32 to vector<16xi32>
    %max3A_45 = arith.maxsi %max3A_44, %convert_element_type3A_41 : vector<16xi32>
    %min3A_46 = vector.broadcast %jit3A_43 : i32 to vector<16xi32>
    %min3A_47 = arith.minsi %min3A_46, %max3A_45 : vector<16xi32>
    %broadcast_in_dim3A_48 = arith.constant 3 : i32
    %broadcast_in_dim3A_49 = vector.broadcast %broadcast_in_dim3A_48 : i32 to vector<16xi32>
    %gather3A_50 = tpu.vector_load_idx %arg5[%add3A_14, %broadcast_in_dim3A_49] : memref<64x4xf32, #tpu.memory_space<vmem>>[vector<16xi32>, vector<16xi32>], vector<16xf32>,
    %mul3A_51 = arith.constant 1.023000e+03 : f32
    %mul3A_52 = vector.broadcast %mul3A_51 : f32 to vector<16xf32>
    %mul3A_53 = arith.mulf %gather3A_50, %mul3A_52 : vector<16xf32>
    %convert_element_type3A_54 = arith.fptosi %mul3A_53 : vector<16xf32> to vector<16xi32>
    %jit3A_55 = arith.constant 0 : i32
    %jit3A_56 = arith.constant 1023 : i32
    %max3A_57 = vector.broadcast %jit3A_55 : i32 to vector<16xi32>
    %max3A_58 = arith.maxsi %max3A_57, %convert_element_type3A_54 : vector<16xi32>
    %min3A_59 = vector.broadcast %jit3A_56 : i32 to vector<16xi32>
    %min3A_60 = arith.minsi %min3A_59, %max3A_58 : vector<16xi32>
    %sub3A = arith.subi %min3A_47, %min3A_21 : vector<16xi32>
    %jit3A_61 = arith.constant 0 : i32
    %jit3A_62 = arith.constant 1023 : i32
    %max3A_63 = vector.broadcast %jit3A_61 : i32 to vector<16xi32>
    %max3A_64 = arith.maxsi %max3A_63, %sub3A : vector<16xi32>
    %min3A_65 = vector.broadcast %jit3A_62 : i32 to vector<16xi32>
    %min3A_66 = arith.minsi %min3A_65, %max3A_64 : vector<16xi32>
    %sub3A_67 = arith.subi %min3A_60, %min3A_34 : vector<16xi32>
    %jit3A_68 = arith.constant 0 : i32
    %jit3A_69 = arith.constant 1023 : i32
    %max3A_70 = vector.broadcast %jit3A_68 : i32 to vector<16xi32>
    %max3A_71 = arith.maxsi %max3A_70, %sub3A_67 : vector<16xi32>
    %min3A_72 = vector.broadcast %jit3A_69 : i32 to vector<16xi32>
    %min3A_73 = arith.minsi %min3A_72, %max3A_71 : vector<16xi32>
    %mul3A_74 = arith.constant 6 : i32
    %mul3A_75 = vector.broadcast %mul3A_74 : i32 to vector<16xi32>
    %mul3A_76 = arith.muli %add3A_14, %mul3A_75 : vector<16xi32>
    tpu.vector_store_idx %arg6[%mul3A_76], %min3A_21 : memref<384xi32, #tpu.memory_space<vmem>>[vector<16xi32>], vector<16xi32>,
    %add3A_77 = arith.constant 1 : i32
    %add3A_78 = vector.broadcast %add3A_77 : i32 to vector<16xi32>
    %add3A_79 = arith.addi %mul3A_76, %add3A_78 : vector<16xi32>
    %add3A_80 = arith.constant 1024 : i32
    %add3A_81 = vector.broadcast %add3A_80 : i32 to vector<16xi32>
    %add3A_82 = arith.addi %min3A_34, %add3A_81 : vector<16xi32>
    tpu.vector_store_idx %arg6[%add3A_79], %add3A_82 : memref<384xi32, #tpu.memory_space<vmem>>[vector<16xi32>], vector<16xi32>,
    %add3A_83 = arith.constant 2 : i32
    %add3A_84 = vector.broadcast %add3A_83 : i32 to vector<16xi32>
    %add3A_85 = arith.addi %mul3A_76, %add3A_84 : vector<16xi32>
    tpu.vector_store_idx %arg6[%add3A_85], %min3A_47 : memref<384xi32, #tpu.memory_space<vmem>>[vector<16xi32>], vector<16xi32>,
    %add3A_86 = arith.constant 3 : i32
    %add3A_87 = vector.broadcast %add3A_86 : i32 to vector<16xi32>
    %add3A_88 = arith.addi %mul3A_76, %add3A_87 : vector<16xi32>
    %add3A_89 = arith.constant 1024 : i32
    %add3A_90 = vector.broadcast %add3A_89 : i32 to vector<16xi32>
    %add3A_91 = arith.addi %min3A_60, %add3A_90 : vector<16xi32>
    tpu.vector_store_idx %arg6[%add3A_88], %add3A_91 : memref<384xi32, #tpu.memory_space<vmem>>[vector<16xi32>], vector<16xi32>,
    %add3A_92 = arith.constant 4 : i32
    %add3A_93 = vector.broadcast %add3A_92 : i32 to vector<16xi32>
    %add3A_94 = arith.addi %mul3A_76, %add3A_93 : vector<16xi32>
    %add3A_95 = arith.constant 2048 : i32
    %add3A_96 = vector.broadcast %add3A_95 : i32 to vector<16xi32>
    %add3A_97 = arith.addi %min3A_66, %add3A_96 : vector<16xi32>
    tpu.vector_store_idx %arg6[%add3A_94], %add3A_97 : memref<384xi32, #tpu.memory_space<vmem>>[vector<16xi32>], vector<16xi32>,
    %add3A_98 = arith.constant 5 : i32
    %add3A_99 = vector.broadcast %add3A_98 : i32 to vector<16xi32>
    %add3A_100 = arith.addi %mul3A_76, %add3A_99 : vector<16xi32>
    %add3A_101 = arith.constant 3072 : i32
    %add3A_102 = vector.broadcast %add3A_101 : i32 to vector<16xi32>
    %add3A_103 = arith.addi %min3A_73, %add3A_102 : vector<16xi32>
    tpu.vector_store_idx %arg6[%add3A_100], %add3A_103 : memref<384xi32, #tpu.memory_space<vmem>>[vector<16xi32>], vector<16xi32>,
    %add3A_104 = arith.constant 16 : i32
    %add3A_105 = vector.broadcast %add3A_104 : i32 to vector<16xi32>
    %add3A_106 = arith.addi %iota3A, %add3A_105 : vector<16xi32>
    %broadcast_in_dim3A_107 = arith.constant 0 : i32
    %broadcast_in_dim3A_108 = vector.broadcast %broadcast_in_dim3A_107 : i32 to vector<16xi32>
    %gather3A_109 = tpu.vector_load_idx %arg5[%add3A_106, %broadcast_in_dim3A_108] : memref<64x4xf32, #tpu.memory_space<vmem>>[vector<16xi32>, vector<16xi32>], vector<16xf32>,
    %mul3A_110 = arith.constant 1.023000e+03 : f32
    %mul3A_111 = vector.broadcast %mul3A_110 : f32 to vector<16xf32>
    %mul3A_112 = arith.mulf %gather3A_109, %mul3A_111 : vector<16xf32>
    %convert_element_type3A_113 = arith.fptosi %mul3A_112 : vector<16xf32> to vector<16xi32>
    %jit3A_114 = arith.constant 0 : i32
    %jit3A_115 = arith.constant 1023 : i32
    %max3A_116 = vector.broadcast %jit3A_114 : i32 to vector<16xi32>
    %max3A_117 = arith.maxsi %max3A_116, %convert_element_type3A_113 : vector<16xi32>
    %min3A_118 = vector.broadcast %jit3A_115 : i32 to vector<16xi32>
    %min3A_119 = arith.minsi %min3A_118, %max3A_117 : vector<16xi32>
    %broadcast_in_dim3A_120 = arith.constant 1 : i32
    %broadcast_in_dim3A_121 = vector.broadcast %broadcast_in_dim3A_120 : i32 to vector<16xi32>
    %gather3A_122 = tpu.vector_load_idx %arg5[%add3A_106, %broadcast_in_dim3A_121] : memref<64x4xf32, #tpu.memory_space<vmem>>[vector<16xi32>, vector<16xi32>], vector<16xf32>,
    %mul3A_123 = arith.constant 1.023000e+03 : f32
    %mul3A_124 = vector.broadcast %mul3A_123 : f32 to vector<16xf32>
    %mul3A_125 = arith.mulf %gather3A_122, %mul3A_124 : vector<16xf32>
    %convert_element_type3A_126 = arith.fptosi %mul3A_125 : vector<16xf32> to vector<16xi32>
    %jit3A_127 = arith.constant 0 : i32
    %jit3A_128 = arith.constant 1023 : i32
    %max3A_129 = vector.broadcast %jit3A_127 : i32 to vector<16xi32>
    %max3A_130 = arith.maxsi %max3A_129, %convert_element_type3A_126 : vector<16xi32>
    %min3A_131 = vector.broadcast %jit3A_128 : i32 to vector<16xi32>
    %min3A_132 = arith.minsi %min3A_131, %max3A_130 : vector<16xi32>
    %broadcast_in_dim3A_133 = arith.constant 2 : i32
    %broadcast_in_dim3A_134 = vector.broadcast %broadcast_in_dim3A_133 : i32 to vector<16xi32>
    %gather3A_135 = tpu.vector_load_idx %arg5[%add3A_106, %broadcast_in_dim3A_134] : memref<64x4xf32, #tpu.memory_space<vmem>>[vector<16xi32>, vector<16xi32>], vector<16xf32>,
    %mul3A_136 = arith.constant 1.023000e+03 : f32
    %mul3A_137 = vector.broadcast %mul3A_136 : f32 to vector<16xf32>
    %mul3A_138 = arith.mulf %gather3A_135, %mul3A_137 : vector<16xf32>
    %convert_element_type3A_139 = arith.fptosi %mul3A_138 : vector<16xf32> to vector<16xi32>
    %jit3A_140 = arith.constant 0 : i32
    %jit3A_141 = arith.constant 1023 : i32
    %max3A_142 = vector.broadcast %jit3A_140 : i32 to vector<16xi32>
    %max3A_143 = arith.maxsi %max3A_142, %convert_element_type3A_139 : vector<16xi32>
    %min3A_144 = vector.broadcast %jit3A_141 : i32 to vector<16xi32>
    %min3A_145 = arith.minsi %min3A_144, %max3A_143 : vector<16xi32>
    %broadcast_in_dim3A_146 = arith.constant 3 : i32
    %broadcast_in_dim3A_147 = vector.broadcast %broadcast_in_dim3A_146 : i32 to vector<16xi32>
    %gather3A_148 = tpu.vector_load_idx %arg5[%add3A_106, %broadcast_in_dim3A_147] : memref<64x4xf32, #tpu.memory_space<vmem>>[vector<16xi32>, vector<16xi32>], vector<16xf32>,
    %mul3A_149 = arith.constant 1.023000e+03 : f32
    %mul3A_150 = vector.broadcast %mul3A_149 : f32 to vector<16xf32>
    %mul3A_151 = arith.mulf %gather3A_148, %mul3A_150 : vector<16xf32>
    %convert_element_type3A_152 = arith.fptosi %mul3A_151 : vector<16xf32> to vector<16xi32>
    %jit3A_153 = arith.constant 0 : i32
    %jit3A_154 = arith.constant 1023 : i32
    %max3A_155 = vector.broadcast %jit3A_153 : i32 to vector<16xi32>
    %max3A_156 = arith.maxsi %max3A_155, %convert_element_type3A_152 : vector<16xi32>
    %min3A_157 = vector.broadcast %jit3A_154 : i32 to vector<16xi32>
    %min3A_158 = arith.minsi %min3A_157, %max3A_156 : vector<16xi32>
    %sub3A_159 = arith.subi %min3A_145, %min3A_119 : vector<16xi32>
    %jit3A_160 = arith.constant 0 : i32
    %jit3A_161 = arith.constant 1023 : i32
    %max3A_162 = vector.broadcast %jit3A_160 : i32 to vector<16xi32>
    %max3A_163 = arith.maxsi %max3A_162, %sub3A_159 : vector<16xi32>
    %min3A_164 = vector.broadcast %jit3A_161 : i32 to vector<16xi32>
    %min3A_165 = arith.minsi %min3A_164, %max3A_163 : vector<16xi32>
    %sub3A_166 = arith.subi %min3A_158, %min3A_132 : vector<16xi32>
    %jit3A_167 = arith.constant 0 : i32
    %jit3A_168 = arith.constant 1023 : i32
    %max3A_169 = vector.broadcast %jit3A_167 : i32 to vector<16xi32>
    %max3A_170 = arith.maxsi %max3A_169, %sub3A_166 : vector<16xi32>
    %min3A_171 = vector.broadcast %jit3A_168 : i32 to vector<16xi32>
    %min3A_172 = arith.minsi %min3A_171, %max3A_170 : vector<16xi32>
    %mul3A_173 = arith.constant 6 : i32
    %mul3A_174 = vector.broadcast %mul3A_173 : i32 to vector<16xi32>
    %mul3A_175 = arith.muli %add3A_106, %mul3A_174 : vector<16xi32>
    tpu.vector_store_idx %arg6[%mul3A_175], %min3A_119 : memref<384xi32, #tpu.memory_space<vmem>>[vector<16xi32>], vector<16xi32>,
    %add3A_176 = arith.constant 1 : i32
    %add3A_177 = vector.broadcast %add3A_176 : i32 to vector<16xi32>
    %add3A_178 = arith.addi %mul3A_175, %add3A_177 : vector<16xi32>
    %add3A_179 = arith.constant 1024 : i32
    %add3A_180 = vector.broadcast %add3A_179 : i32 to vector<16xi32>
    %add3A_181 = arith.addi %min3A_132, %add3A_180 : vector<16xi32>
    tpu.vector_store_idx %arg6[%add3A_178], %add3A_181 : memref<384xi32, #tpu.memory_space<vmem>>[vector<16xi32>], vector<16xi32>,
    %add3A_182 = arith.constant 2 : i32
    %add3A_183 = vector.broadcast %add3A_182 : i32 to vector<16xi32>
    %add3A_184 = arith.addi %mul3A_175, %add3A_183 : vector<16xi32>
    tpu.vector_store_idx %arg6[%add3A_184], %min3A_145 : memref<384xi32, #tpu.memory_space<vmem>>[vector<16xi32>], vector<16xi32>,
    %add3A_185 = arith.constant 3 : i32
    %add3A_186 = vector.broadcast %add3A_185 : i32 to vector<16xi32>
    %add3A_187 = arith.addi %mul3A_175, %add3A_186 : vector<16xi32>
    %add3A_188 = arith.constant 1024 : i32
    %add3A_189 = vector.broadcast %add3A_188 : i32 to vector<16xi32>
    %add3A_190 = arith.addi %min3A_158, %add3A_189 : vector<16xi32>
    tpu.vector_store_idx %arg6[%add3A_187], %add3A_190 : memref<384xi32, #tpu.memory_space<vmem>>[vector<16xi32>], vector<16xi32>,
    %add3A_191 = arith.constant 4 : i32
    %add3A_192 = vector.broadcast %add3A_191 : i32 to vector<16xi32>
    %add3A_193 = arith.addi %mul3A_175, %add3A_192 : vector<16xi32>
    %add3A_194 = arith.constant 2048 : i32
    %add3A_195 = vector.broadcast %add3A_194 : i32 to vector<16xi32>
    %add3A_196 = arith.addi %min3A_165, %add3A_195 : vector<16xi32>
    tpu.vector_store_idx %arg6[%add3A_193], %add3A_196 : memref<384xi32, #tpu.memory_space<vmem>>[vector<16xi32>], vector<16xi32>,
    %add3A_197 = arith.constant 5 : i32
    %add3A_198 = vector.broadcast %add3A_197 : i32 to vector<16xi32>
    %add3A_199 = arith.addi %mul3A_175, %add3A_198 : vector<16xi32>
    %add3A_200 = arith.constant 3072 : i32
    %add3A_201 = vector.broadcast %add3A_200 : i32 to vector<16xi32>
    %add3A_202 = arith.addi %min3A_172, %add3A_201 : vector<16xi32>
    tpu.vector_store_idx %arg6[%add3A_199], %add3A_202 : memref<384xi32, #tpu.memory_space<vmem>>[vector<16xi32>], vector<16xi32>,
    %add3A_203 = arith.constant 32 : i32
    %add3A_204 = vector.broadcast %add3A_203 : i32 to vector<16xi32>
    %add3A_205 = arith.addi %iota3A, %add3A_204 : vector<16xi32>
    %broadcast_in_dim3A_206 = arith.constant 0 : i32
    %broadcast_in_dim3A_207 = vector.broadcast %broadcast_in_dim3A_206 : i32 to vector<16xi32>
    %gather3A_208 = tpu.vector_load_idx %arg5[%add3A_205, %broadcast_in_dim3A_207] : memref<64x4xf32, #tpu.memory_space<vmem>>[vector<16xi32>, vector<16xi32>], vector<16xf32>,
    %mul3A_209 = arith.constant 1.023000e+03 : f32
    %mul3A_210 = vector.broadcast %mul3A_209 : f32 to vector<16xf32>
    %mul3A_211 = arith.mulf %gather3A_208, %mul3A_210 : vector<16xf32>
    %convert_element_type3A_212 = arith.fptosi %mul3A_211 : vector<16xf32> to vector<16xi32>
    %jit3A_213 = arith.constant 0 : i32
    %jit3A_214 = arith.constant 1023 : i32
    %max3A_215 = vector.broadcast %jit3A_213 : i32 to vector<16xi32>
    %max3A_216 = arith.maxsi %max3A_215, %convert_element_type3A_212 : vector<16xi32>
    %min3A_217 = vector.broadcast %jit3A_214 : i32 to vector<16xi32>
    %min3A_218 = arith.minsi %min3A_217, %max3A_216 : vector<16xi32>
    %broadcast_in_dim3A_219 = arith.constant 1 : i32
    %broadcast_in_dim3A_220 = vector.broadcast %broadcast_in_dim3A_219 : i32 to vector<16xi32>
    %gather3A_221 = tpu.vector_load_idx %arg5[%add3A_205, %broadcast_in_dim3A_220] : memref<64x4xf32, #tpu.memory_space<vmem>>[vector<16xi32>, vector<16xi32>], vector<16xf32>,
    %mul3A_222 = arith.constant 1.023000e+03 : f32
    %mul3A_223 = vector.broadcast %mul3A_222 : f32 to vector<16xf32>
    %mul3A_224 = arith.mulf %gather3A_221, %mul3A_223 : vector<16xf32>
    %convert_element_type3A_225 = arith.fptosi %mul3A_224 : vector<16xf32> to vector<16xi32>
    %jit3A_226 = arith.constant 0 : i32
    %jit3A_227 = arith.constant 1023 : i32
    %max3A_228 = vector.broadcast %jit3A_226 : i32 to vector<16xi32>
    %max3A_229 = arith.maxsi %max3A_228, %convert_element_type3A_225 : vector<16xi32>
    %min3A_230 = vector.broadcast %jit3A_227 : i32 to vector<16xi32>
    %min3A_231 = arith.minsi %min3A_230, %max3A_229 : vector<16xi32>
    %broadcast_in_dim3A_232 = arith.constant 2 : i32
    %broadcast_in_dim3A_233 = vector.broadcast %broadcast_in_dim3A_232 : i32 to vector<16xi32>
    %gather3A_234 = tpu.vector_load_idx %arg5[%add3A_205, %broadcast_in_dim3A_233] : memref<64x4xf32, #tpu.memory_space<vmem>>[vector<16xi32>, vector<16xi32>], vector<16xf32>,
    %mul3A_235 = arith.constant 1.023000e+03 : f32
    %mul3A_236 = vector.broadcast %mul3A_235 : f32 to vector<16xf32>
    %mul3A_237 = arith.mulf %gather3A_234, %mul3A_236 : vector<16xf32>
    %convert_element_type3A_238 = arith.fptosi %mul3A_237 : vector<16xf32> to vector<16xi32>
    %jit3A_239 = arith.constant 0 : i32
    %jit3A_240 = arith.constant 1023 : i32
    %max3A_241 = vector.broadcast %jit3A_239 : i32 to vector<16xi32>
    %max3A_242 = arith.maxsi %max3A_241, %convert_element_type3A_238 : vector<16xi32>
    %min3A_243 = vector.broadcast %jit3A_240 : i32 to vector<16xi32>
    %min3A_244 = arith.minsi %min3A_243, %max3A_242 : vector<16xi32>
    %broadcast_in_dim3A_245 = arith.constant 3 : i32
    %broadcast_in_dim3A_246 = vector.broadcast %broadcast_in_dim3A_245 : i32 to vector<16xi32>
    %gather3A_247 = tpu.vector_load_idx %arg5[%add3A_205, %broadcast_in_dim3A_246] : memref<64x4xf32, #tpu.memory_space<vmem>>[vector<16xi32>, vector<16xi32>], vector<16xf32>,
    %mul3A_248 = arith.constant 1.023000e+03 : f32
    %mul3A_249 = vector.broadcast %mul3A_248 : f32 to vector<16xf32>
    %mul3A_250 = arith.mulf %gather3A_247, %mul3A_249 : vector<16xf32>
    %convert_element_type3A_251 = arith.fptosi %mul3A_250 : vector<16xf32> to vector<16xi32>
    %jit3A_252 = arith.constant 0 : i32
    %jit3A_253 = arith.constant 1023 : i32
    %max3A_254 = vector.broadcast %jit3A_252 : i32 to vector<16xi32>
    %max3A_255 = arith.maxsi %max3A_254, %convert_element_type3A_251 : vector<16xi32>
    %min3A_256 = vector.broadcast %jit3A_253 : i32 to vector<16xi32>
    %min3A_257 = arith.minsi %min3A_256, %max3A_255 : vector<16xi32>
    %sub3A_258 = arith.subi %min3A_244, %min3A_218 : vector<16xi32>
    %jit3A_259 = arith.constant 0 : i32
    %jit3A_260 = arith.constant 1023 : i32
    %max3A_261 = vector.broadcast %jit3A_259 : i32 to vector<16xi32>
    %max3A_262 = arith.maxsi %max3A_261, %sub3A_258 : vector<16xi32>
    %min3A_263 = vector.broadcast %jit3A_260 : i32 to vector<16xi32>
    %min3A_264 = arith.minsi %min3A_263, %max3A_262 : vector<16xi32>
    %sub3A_265 = arith.subi %min3A_257, %min3A_231 : vector<16xi32>
    %jit3A_266 = arith.constant 0 : i32
    %jit3A_267 = arith.constant 1023 : i32
    %max3A_268 = vector.broadcast %jit3A_266 : i32 to vector<16xi32>
    %max3A_269 = arith.maxsi %max3A_268, %sub3A_265 : vector<16xi32>
    %min3A_270 = vector.broadcast %jit3A_267 : i32 to vector<16xi32>
    %min3A_271 = arith.minsi %min3A_270, %max3A_269 : vector<16xi32>
    %mul3A_272 = arith.constant 6 : i32
    %mul3A_273 = vector.broadcast %mul3A_272 : i32 to vector<16xi32>
    %mul3A_274 = arith.muli %add3A_205, %mul3A_273 : vector<16xi32>
    tpu.vector_store_idx %arg6[%mul3A_274], %min3A_218 : memref<384xi32, #tpu.memory_space<vmem>>[vector<16xi32>], vector<16xi32>,
    %add3A_275 = arith.constant 1 : i32
    %add3A_276 = vector.broadcast %add3A_275 : i32 to vector<16xi32>
    %add3A_277 = arith.addi %mul3A_274, %add3A_276 : vector<16xi32>
    %add3A_278 = arith.constant 1024 : i32
    %add3A_279 = vector.broadcast %add3A_278 : i32 to vector<16xi32>
    %add3A_280 = arith.addi %min3A_231, %add3A_279 : vector<16xi32>
    tpu.vector_store_idx %arg6[%add3A_277], %add3A_280 : memref<384xi32, #tpu.memory_space<vmem>>[vector<16xi32>], vector<16xi32>,
    %add3A_281 = arith.constant 2 : i32
    %add3A_282 = vector.broadcast %add3A_281 : i32 to vector<16xi32>
    %add3A_283 = arith.addi %mul3A_274, %add3A_282 : vector<16xi32>
    tpu.vector_store_idx %arg6[%add3A_283], %min3A_244 : memref<384xi32, #tpu.memory_space<vmem>>[vector<16xi32>], vector<16xi32>,
    %add3A_284 = arith.constant 3 : i32
    %add3A_285 = vector.broadcast %add3A_284 : i32 to vector<16xi32>
    %add3A_286 = arith.addi %mul3A_274, %add3A_285 : vector<16xi32>
    %add3A_287 = arith.constant 1024 : i32
    %add3A_288 = vector.broadcast %add3A_287 : i32 to vector<16xi32>
    %add3A_289 = arith.addi %min3A_257, %add3A_288 : vector<16xi32>
    tpu.vector_store_idx %arg6[%add3A_286], %add3A_289 : memref<384xi32, #tpu.memory_space<vmem>>[vector<16xi32>], vector<16xi32>,
    %add3A_290 = arith.constant 4 : i32
    %add3A_291 = vector.broadcast %add3A_290 : i32 to vector<16xi32>
    %add3A_292 = arith.addi %mul3A_274, %add3A_291 : vector<16xi32>
    %add3A_293 = arith.constant 2048 : i32
    %add3A_294 = vector.broadcast %add3A_293 : i32 to vector<16xi32>
    %add3A_295 = arith.addi %min3A_264, %add3A_294 : vector<16xi32>
    tpu.vector_store_idx %arg6[%add3A_292], %add3A_295 : memref<384xi32, #tpu.memory_space<vmem>>[vector<16xi32>], vector<16xi32>,
    %add3A_296 = arith.constant 5 : i32
    %add3A_297 = vector.broadcast %add3A_296 : i32 to vector<16xi32>
    %add3A_298 = arith.addi %mul3A_274, %add3A_297 : vector<16xi32>
    %add3A_299 = arith.constant 3072 : i32
    %add3A_300 = vector.broadcast %add3A_299 : i32 to vector<16xi32>
    %add3A_301 = arith.addi %min3A_271, %add3A_300 : vector<16xi32>
    tpu.vector_store_idx %arg6[%add3A_298], %add3A_301 : memref<384xi32, #tpu.memory_space<vmem>>[vector<16xi32>], vector<16xi32>,
    %add3A_302 = arith.constant 48 : i32
    %add3A_303 = vector.broadcast %add3A_302 : i32 to vector<16xi32>
    %add3A_304 = arith.addi %iota3A, %add3A_303 : vector<16xi32>
    %broadcast_in_dim3A_305 = arith.constant 0 : i32
    %broadcast_in_dim3A_306 = vector.broadcast %broadcast_in_dim3A_305 : i32 to vector<16xi32>
    %gather3A_307 = tpu.vector_load_idx %arg5[%add3A_304, %broadcast_in_dim3A_306] : memref<64x4xf32, #tpu.memory_space<vmem>>[vector<16xi32>, vector<16xi32>], vector<16xf32>,
    %mul3A_308 = arith.constant 1.023000e+03 : f32
    %mul3A_309 = vector.broadcast %mul3A_308 : f32 to vector<16xf32>
    %mul3A_310 = arith.mulf %gather3A_307, %mul3A_309 : vector<16xf32>
    %convert_element_type3A_311 = arith.fptosi %mul3A_310 : vector<16xf32> to vector<16xi32>
    %jit3A_312 = arith.constant 0 : i32
    %jit3A_313 = arith.constant 1023 : i32
    %max3A_314 = vector.broadcast %jit3A_312 : i32 to vector<16xi32>
    %max3A_315 = arith.maxsi %max3A_314, %convert_element_type3A_311 : vector<16xi32>
    %min3A_316 = vector.broadcast %jit3A_313 : i32 to vector<16xi32>
    %min3A_317 = arith.minsi %min3A_316, %max3A_315 : vector<16xi32>
    %broadcast_in_dim3A_318 = arith.constant 1 : i32
    %broadcast_in_dim3A_319 = vector.broadcast %broadcast_in_dim3A_318 : i32 to vector<16xi32>
    %gather3A_320 = tpu.vector_load_idx %arg5[%add3A_304, %broadcast_in_dim3A_319] : memref<64x4xf32, #tpu.memory_space<vmem>>[vector<16xi32>, vector<16xi32>], vector<16xf32>,
    %mul3A_321 = arith.constant 1.023000e+03 : f32
    %mul3A_322 = vector.broadcast %mul3A_321 : f32 to vector<16xf32>
    %mul3A_323 = arith.mulf %gather3A_320, %mul3A_322 : vector<16xf32>
    %convert_element_type3A_324 = arith.fptosi %mul3A_323 : vector<16xf32> to vector<16xi32>
    %jit3A_325 = arith.constant 0 : i32
    %jit3A_326 = arith.constant 1023 : i32
    %max3A_327 = vector.broadcast %jit3A_325 : i32 to vector<16xi32>
    %max3A_328 = arith.maxsi %max3A_327, %convert_element_type3A_324 : vector<16xi32>
    %min3A_329 = vector.broadcast %jit3A_326 : i32 to vector<16xi32>
    %min3A_330 = arith.minsi %min3A_329, %max3A_328 : vector<16xi32>
    %broadcast_in_dim3A_331 = arith.constant 2 : i32
    %broadcast_in_dim3A_332 = vector.broadcast %broadcast_in_dim3A_331 : i32 to vector<16xi32>
    %gather3A_333 = tpu.vector_load_idx %arg5[%add3A_304, %broadcast_in_dim3A_332] : memref<64x4xf32, #tpu.memory_space<vmem>>[vector<16xi32>, vector<16xi32>], vector<16xf32>,
    %mul3A_334 = arith.constant 1.023000e+03 : f32
    %mul3A_335 = vector.broadcast %mul3A_334 : f32 to vector<16xf32>
    %mul3A_336 = arith.mulf %gather3A_333, %mul3A_335 : vector<16xf32>
    %convert_element_type3A_337 = arith.fptosi %mul3A_336 : vector<16xf32> to vector<16xi32>
    %jit3A_338 = arith.constant 0 : i32
    %jit3A_339 = arith.constant 1023 : i32
    %max3A_340 = vector.broadcast %jit3A_338 : i32 to vector<16xi32>
    %max3A_341 = arith.maxsi %max3A_340, %convert_element_type3A_337 : vector<16xi32>
    %min3A_342 = vector.broadcast %jit3A_339 : i32 to vector<16xi32>
    %min3A_343 = arith.minsi %min3A_342, %max3A_341 : vector<16xi32>
    %broadcast_in_dim3A_344 = arith.constant 3 : i32
    %broadcast_in_dim3A_345 = vector.broadcast %broadcast_in_dim3A_344 : i32 to vector<16xi32>
    %gather3A_346 = tpu.vector_load_idx %arg5[%add3A_304, %broadcast_in_dim3A_345] : memref<64x4xf32, #tpu.memory_space<vmem>>[vector<16xi32>, vector<16xi32>], vector<16xf32>,
    %mul3A_347 = arith.constant 1.023000e+03 : f32
    %mul3A_348 = vector.broadcast %mul3A_347 : f32 to vector<16xf32>
    %mul3A_349 = arith.mulf %gather3A_346, %mul3A_348 : vector<16xf32>
    %convert_element_type3A_350 = arith.fptosi %mul3A_349 : vector<16xf32> to vector<16xi32>
    %jit3A_351 = arith.constant 0 : i32
    %jit3A_352 = arith.constant 1023 : i32
    %max3A_353 = vector.broadcast %jit3A_351 : i32 to vector<16xi32>
    %max3A_354 = arith.maxsi %max3A_353, %convert_element_type3A_350 : vector<16xi32>
    %min3A_355 = vector.broadcast %jit3A_352 : i32 to vector<16xi32>
    %min3A_356 = arith.minsi %min3A_355, %max3A_354 : vector<16xi32>
    %sub3A_357 = arith.subi %min3A_343, %min3A_317 : vector<16xi32>
    %jit3A_358 = arith.constant 0 : i32
    %jit3A_359 = arith.constant 1023 : i32
    %max3A_360 = vector.broadcast %jit3A_358 : i32 to vector<16xi32>
    %max3A_361 = arith.maxsi %max3A_360, %sub3A_357 : vector<16xi32>
    %min3A_362 = vector.broadcast %jit3A_359 : i32 to vector<16xi32>
    %min3A_363 = arith.minsi %min3A_362, %max3A_361 : vector<16xi32>
    %sub3A_364 = arith.subi %min3A_356, %min3A_330 : vector<16xi32>
    %jit3A_365 = arith.constant 0 : i32
    %jit3A_366 = arith.constant 1023 : i32
    %max3A_367 = vector.broadcast %jit3A_365 : i32 to vector<16xi32>
    %max3A_368 = arith.maxsi %max3A_367, %sub3A_364 : vector<16xi32>
    %min3A_369 = vector.broadcast %jit3A_366 : i32 to vector<16xi32>
    %min3A_370 = arith.minsi %min3A_369, %max3A_368 : vector<16xi32>
    %mul3A_371 = arith.constant 6 : i32
    %mul3A_372 = vector.broadcast %mul3A_371 : i32 to vector<16xi32>
    %mul3A_373 = arith.muli %add3A_304, %mul3A_372 : vector<16xi32>
    tpu.vector_store_idx %arg6[%mul3A_373], %min3A_317 : memref<384xi32, #tpu.memory_space<vmem>>[vector<16xi32>], vector<16xi32>,
    %add3A_374 = arith.constant 1 : i32
    %add3A_375 = vector.broadcast %add3A_374 : i32 to vector<16xi32>
    %add3A_376 = arith.addi %mul3A_373, %add3A_375 : vector<16xi32>
    %add3A_377 = arith.constant 1024 : i32
    %add3A_378 = vector.broadcast %add3A_377 : i32 to vector<16xi32>
    %add3A_379 = arith.addi %min3A_330, %add3A_378 : vector<16xi32>
    tpu.vector_store_idx %arg6[%add3A_376], %add3A_379 : memref<384xi32, #tpu.memory_space<vmem>>[vector<16xi32>], vector<16xi32>,
    %add3A_380 = arith.constant 2 : i32
    %add3A_381 = vector.broadcast %add3A_380 : i32 to vector<16xi32>
    %add3A_382 = arith.addi %mul3A_373, %add3A_381 : vector<16xi32>
    tpu.vector_store_idx %arg6[%add3A_382], %min3A_343 : memref<384xi32, #tpu.memory_space<vmem>>[vector<16xi32>], vector<16xi32>,
    %add3A_383 = arith.constant 3 : i32
    %add3A_384 = vector.broadcast %add3A_383 : i32 to vector<16xi32>
    %add3A_385 = arith.addi %mul3A_373, %add3A_384 : vector<16xi32>
    %add3A_386 = arith.constant 1024 : i32
    %add3A_387 = vector.broadcast %add3A_386 : i32 to vector<16xi32>
    %add3A_388 = arith.addi %min3A_356, %add3A_387 : vector<16xi32>
    tpu.vector_store_idx %arg6[%add3A_385], %add3A_388 : memref<384xi32, #tpu.memory_space<vmem>>[vector<16xi32>], vector<16xi32>,
    %add3A_389 = arith.constant 4 : i32
    %add3A_390 = vector.broadcast %add3A_389 : i32 to vector<16xi32>
    %add3A_391 = arith.addi %mul3A_373, %add3A_390 : vector<16xi32>
    %add3A_392 = arith.constant 2048 : i32
    %add3A_393 = vector.broadcast %add3A_392 : i32 to vector<16xi32>
    %add3A_394 = arith.addi %min3A_363, %add3A_393 : vector<16xi32>
    tpu.vector_store_idx %arg6[%add3A_391], %add3A_394 : memref<384xi32, #tpu.memory_space<vmem>>[vector<16xi32>], vector<16xi32>,
    %add3A_395 = arith.constant 5 : i32
    %add3A_396 = vector.broadcast %add3A_395 : i32 to vector<16xi32>
    %add3A_397 = arith.addi %mul3A_373, %add3A_396 : vector<16xi32>
    %add3A_398 = arith.constant 3072 : i32
    %add3A_399 = vector.broadcast %add3A_398 : i32 to vector<16xi32>
    %add3A_400 = arith.addi %min3A_370, %add3A_399 : vector<16xi32>
    tpu.vector_store_idx %arg6[%add3A_397], %add3A_400 : memref<384xi32, #tpu.memory_space<vmem>>[vector<16xi32>], vector<16xi32>,
    %dma_wait3A = arith.constant 0 : i32
    %dma_wait3A_401 = tpu.memref_slice %arg8[%mul3A_4, %dma_wait3A] : memref<4096x64xf32, #tpu.memory_space<vmem_shared>> -> memref<256x64xf32, #tpu.memory_space<vmem_shared>>
    %dma_wait3A_402 = arith.constant 0 : i32
    %dma_wait3A_403 = tpu.memref_slice %arg3[%mul3A_2, %dma_wait3A_402] : memref<4096x64xf32, #tpu.memory_space<hbm>> -> memref<256x64xf32, #tpu.memory_space<hbm>>
    tpu.wait_dma2 semaphore(%arg9 : memref<!tpu.dma_semaphore, #tpu.memory_space<semaphore_mem>>) src(%dma_wait3A_403 : memref<256x64xf32, #tpu.memory_space<hbm>>) dst(%dma_wait3A_401 : memref<256x64xf32, #tpu.memory_space<vmem_shared>>)
    %barrier3A = arith.constant 0 : index
    tpu.barrier barrier_id(%barrier3A)
    %dma_start3A_404 = arith.constant 0 : i32
    %dma_start3A_405 = arith.constant 0 : i32
    %dma_start3A_406 = tpu.memref_slice %arg7[%dma_start3A_404, %dma_start3A_405] : memref<384x64xf32, #tpu.memory_space<vmem>> -> memref<128x64xf32, #tpu.memory_space<vmem>>
    %dma_start3A_407 = arith.constant 0 : i32
    %dma_start3A_408 = tpu.memref_slice %arg6[%dma_start3A_407] : memref<384xi32, #tpu.memory_space<vmem>> -> memref<128xi32, #tpu.memory_space<vmem>>
    %dma_start3A_409 = arith.constant 0 : i32
    %dma_start3A_410 = arith.constant 0 : i32
    %dma_start3A_411 = tpu.memref_slice %arg8[%dma_start3A_409, %dma_start3A_410] : memref<4096x64xf32, #tpu.memory_space<vmem_shared>> -> memref<4096x64xf32, #tpu.memory_space<vmem_shared>>
    tpu.enqueue_indirect_dma source(%dma_start3A_411 : memref<4096x64xf32, #tpu.memory_space<vmem_shared>>) target(%dma_start3A_406 : memref<128x64xf32, #tpu.memory_space<vmem>>) offsets(%dma_start3A_408 : memref<128xi32, #tpu.memory_space<vmem>>) semaphore(%arg10 : memref<!tpu.dma_semaphore, #tpu.memory_space<semaphore_mem>>)
    %dma_start3A_412 = arith.constant 128 : i32
    %dma_start3A_413 = arith.constant 0 : i32
    %dma_start3A_414 = tpu.memref_slice %arg7[%dma_start3A_412, %dma_start3A_413] : memref<384x64xf32, #tpu.memory_space<vmem>> -> memref<128x64xf32, #tpu.memory_space<vmem>>
    %dma_start3A_415 = arith.constant 128 : i32
    %dma_start3A_416 = tpu.memref_slice %arg6[%dma_start3A_415] : memref<384xi32, #tpu.memory_space<vmem>> -> memref<128xi32, #tpu.memory_space<vmem>>
    %dma_start3A_417 = arith.constant 0 : i32
    %dma_start3A_418 = arith.constant 0 : i32
    %dma_start3A_419 = tpu.memref_slice %arg8[%dma_start3A_417, %dma_start3A_418] : memref<4096x64xf32, #tpu.memory_space<vmem_shared>> -> memref<4096x64xf32, #tpu.memory_space<vmem_shared>>
    tpu.enqueue_indirect_dma source(%dma_start3A_419 : memref<4096x64xf32, #tpu.memory_space<vmem_shared>>) target(%dma_start3A_414 : memref<128x64xf32, #tpu.memory_space<vmem>>) offsets(%dma_start3A_416 : memref<128xi32, #tpu.memory_space<vmem>>) semaphore(%arg10 : memref<!tpu.dma_semaphore, #tpu.memory_space<semaphore_mem>>)
    %dma_start3A_420 = arith.constant 256 : i32
    %dma_start3A_421 = arith.constant 0 : i32
    %dma_start3A_422 = tpu.memref_slice %arg7[%dma_start3A_420, %dma_start3A_421] : memref<384x64xf32, #tpu.memory_space<vmem>> -> memref<128x64xf32, #tpu.memory_space<vmem>>
    %dma_start3A_423 = arith.constant 256 : i32
    %dma_start3A_424 = tpu.memref_slice %arg6[%dma_start3A_423] : memref<384xi32, #tpu.memory_space<vmem>> -> memref<128xi32, #tpu.memory_space<vmem>>
    %dma_start3A_425 = arith.constant 0 : i32
    %dma_start3A_426 = arith.constant 0 : i32
    %dma_start3A_427 = tpu.memref_slice %arg8[%dma_start3A_425, %dma_start3A_426] : memref<4096x64xf32, #tpu.memory_space<vmem_shared>> -> memref<4096x64xf32, #tpu.memory_space<vmem_shared>>
    tpu.enqueue_indirect_dma source(%dma_start3A_427 : memref<4096x64xf32, #tpu.memory_space<vmem_shared>>) target(%dma_start3A_422 : memref<128x64xf32, #tpu.memory_space<vmem>>) offsets(%dma_start3A_424 : memref<128xi32, #tpu.memory_space<vmem>>) semaphore(%arg10 : memref<!tpu.dma_semaphore, #tpu.memory_space<semaphore_mem>>)
    %dma_wait3A_428 = arith.constant 0 : i32
    %dma_wait3A_429 = arith.constant 0 : i32
    %dma_wait3A_430 = tpu.memref_slice %arg7[%dma_wait3A_428, %dma_wait3A_429] : memref<384x64xf32, #tpu.memory_space<vmem>> -> memref<128x64xf32, #tpu.memory_space<vmem>>
    %dma_wait3A_431 = arith.constant 0 : i32
    %dma_wait3A_432 = tpu.memref_slice %arg6[%dma_wait3A_431] : memref<384xi32, #tpu.memory_space<vmem>> -> memref<128xi32, #tpu.memory_space<vmem>>
    %dma_wait3A_433 = arith.constant 0 : i32
    %dma_wait3A_434 = arith.constant 0 : i32
    %dma_wait3A_435 = tpu.memref_slice %arg8[%dma_wait3A_433, %dma_wait3A_434] : memref<4096x64xf32, #tpu.memory_space<vmem_shared>> -> memref<4096x64xf32, #tpu.memory_space<vmem_shared>>
    tpu.wait_indirect_dma semaphore(%arg10 : memref<!tpu.dma_semaphore, #tpu.memory_space<semaphore_mem>>) src(%dma_wait3A_435 : memref<4096x64xf32, #tpu.memory_space<vmem_shared>>) dst(%dma_wait3A_430 : memref<128x64xf32, #tpu.memory_space<vmem>>)
    %mul3A_436 = arith.constant 384 : i32
    %mul3A_437 = arith.muli %add3A, %mul3A_436 : i32
    %add3A_438 = arith.constant 0 : i32
    %add3A_439 = arith.addi %mul3A_437, %add3A_438 : i32
    %dma_start3A_440 = arith.constant 0 : i32
    %dma_start3A_441 = arith.constant 0 : i32
    %dma_start3A_442 = tpu.memref_slice %arg7[%dma_start3A_440, %dma_start3A_441] : memref<384x64xf32, #tpu.memory_space<vmem>> -> memref<128x64xf32, #tpu.memory_space<vmem>>
    %dma_start3A_443 = arith.constant 0 : i32
    %dma_start3A_444 = tpu.memref_slice %arg4[%add3A_439, %dma_start3A_443] : memref<12288x64xf32, #tpu.memory_space<hbm>> -> memref<128x64xf32, #tpu.memory_space<hbm>>
    %dma_start3A_445 = arith.constant 0 : i32
    %dma_start3A_446 = tpu.memref_slice %arg4[%add3A_439, %dma_start3A_445] : memref<12288x64xf32, #tpu.memory_space<hbm>> -> memref<128x64xf32, #tpu.memory_space<hbm>>
    %dma_start3A_447 = arith.constant 0 : i32
    %dma_start3A_448 = arith.constant 0 : i32
    %dma_start3A_449 = tpu.memref_slice %arg7[%dma_start3A_447, %dma_start3A_448] : memref<384x64xf32, #tpu.memory_space<vmem>> -> memref<128x64xf32, #tpu.memory_space<vmem>>
    tpu.enqueue_dma source(%dma_start3A_449 : memref<128x64xf32, #tpu.memory_space<vmem>>) target(%dma_start3A_446 : memref<128x64xf32, #tpu.memory_space<hbm>>) target_semaphore(%arg11 : memref<!tpu.dma_semaphore, #tpu.memory_space<semaphore_mem>>)
    %dma_wait3A_450 = arith.constant 128 : i32
    %dma_wait3A_451 = arith.constant 0 : i32
    %dma_wait3A_452 = tpu.memref_slice %arg7[%dma_wait3A_450, %dma_wait3A_451] : memref<384x64xf32, #tpu.memory_space<vmem>> -> memref<128x64xf32, #tpu.memory_space<vmem>>
    %dma_wait3A_453 = arith.constant 128 : i32
    %dma_wait3A_454 = tpu.memref_slice %arg6[%dma_wait3A_453] : memref<384xi32, #tpu.memory_space<vmem>> -> memref<128xi32, #tpu.memory_space<vmem>>
    %dma_wait3A_455 = arith.constant 0 : i32
    %dma_wait3A_456 = arith.constant 0 : i32
    %dma_wait3A_457 = tpu.memref_slice %arg8[%dma_wait3A_455, %dma_wait3A_456] : memref<4096x64xf32, #tpu.memory_space<vmem_shared>> -> memref<4096x64xf32, #tpu.memory_space<vmem_shared>>
    tpu.wait_indirect_dma semaphore(%arg10 : memref<!tpu.dma_semaphore, #tpu.memory_space<semaphore_mem>>) src(%dma_wait3A_457 : memref<4096x64xf32, #tpu.memory_space<vmem_shared>>) dst(%dma_wait3A_452 : memref<128x64xf32, #tpu.memory_space<vmem>>)
    %mul3A_458 = arith.constant 384 : i32
    %mul3A_459 = arith.muli %add3A, %mul3A_458 : i32
    %add3A_460 = arith.constant 128 : i32
    %add3A_461 = arith.addi %mul3A_459, %add3A_460 : i32
    %dma_start3A_462 = arith.constant 128 : i32
    %dma_start3A_463 = arith.constant 0 : i32
    %dma_start3A_464 = tpu.memref_slice %arg7[%dma_start3A_462, %dma_start3A_463] : memref<384x64xf32, #tpu.memory_space<vmem>> -> memref<128x64xf32, #tpu.memory_space<vmem>>
    %dma_start3A_465 = arith.constant 0 : i32
    %dma_start3A_466 = tpu.memref_slice %arg4[%add3A_461, %dma_start3A_465] : memref<12288x64xf32, #tpu.memory_space<hbm>> -> memref<128x64xf32, #tpu.memory_space<hbm>>
    %dma_start3A_467 = arith.constant 0 : i32
    %dma_start3A_468 = tpu.memref_slice %arg4[%add3A_461, %dma_start3A_467] : memref<12288x64xf32, #tpu.memory_space<hbm>> -> memref<128x64xf32, #tpu.memory_space<hbm>>
    %dma_start3A_469 = arith.constant 128 : i32
    %dma_start3A_470 = arith.constant 0 : i32
    %dma_start3A_471 = tpu.memref_slice %arg7[%dma_start3A_469, %dma_start3A_470] : memref<384x64xf32, #tpu.memory_space<vmem>> -> memref<128x64xf32, #tpu.memory_space<vmem>>
    tpu.enqueue_dma source(%dma_start3A_471 : memref<128x64xf32, #tpu.memory_space<vmem>>) target(%dma_start3A_468 : memref<128x64xf32, #tpu.memory_space<hbm>>) target_semaphore(%arg11 : memref<!tpu.dma_semaphore, #tpu.memory_space<semaphore_mem>>)
    %dma_wait3A_472 = arith.constant 256 : i32
    %dma_wait3A_473 = arith.constant 0 : i32
    %dma_wait3A_474 = tpu.memref_slice %arg7[%dma_wait3A_472, %dma_wait3A_473] : memref<384x64xf32, #tpu.memory_space<vmem>> -> memref<128x64xf32, #tpu.memory_space<vmem>>
    %dma_wait3A_475 = arith.constant 256 : i32
    %dma_wait3A_476 = tpu.memref_slice %arg6[%dma_wait3A_475] : memref<384xi32, #tpu.memory_space<vmem>> -> memref<128xi32, #tpu.memory_space<vmem>>
    %dma_wait3A_477 = arith.constant 0 : i32
    %dma_wait3A_478 = arith.constant 0 : i32
    %dma_wait3A_479 = tpu.memref_slice %arg8[%dma_wait3A_477, %dma_wait3A_478] : memref<4096x64xf32, #tpu.memory_space<vmem_shared>> -> memref<4096x64xf32, #tpu.memory_space<vmem_shared>>
    tpu.wait_indirect_dma semaphore(%arg10 : memref<!tpu.dma_semaphore, #tpu.memory_space<semaphore_mem>>) src(%dma_wait3A_479 : memref<4096x64xf32, #tpu.memory_space<vmem_shared>>) dst(%dma_wait3A_474 : memref<128x64xf32, #tpu.memory_space<vmem>>)
    %mul3A_480 = arith.constant 384 : i32
    %mul3A_481 = arith.muli %add3A, %mul3A_480 : i32
    %add3A_482 = arith.constant 256 : i32
    %add3A_483 = arith.addi %mul3A_481, %add3A_482 : i32
    %dma_start3A_484 = arith.constant 256 : i32
    %dma_start3A_485 = arith.constant 0 : i32
    %dma_start3A_486 = tpu.memref_slice %arg7[%dma_start3A_484, %dma_start3A_485] : memref<384x64xf32, #tpu.memory_space<vmem>> -> memref<128x64xf32, #tpu.memory_space<vmem>>
    %dma_start3A_487 = arith.constant 0 : i32
    %dma_start3A_488 = tpu.memref_slice %arg4[%add3A_483, %dma_start3A_487] : memref<12288x64xf32, #tpu.memory_space<hbm>> -> memref<128x64xf32, #tpu.memory_space<hbm>>
    %dma_start3A_489 = arith.constant 0 : i32
    %dma_start3A_490 = tpu.memref_slice %arg4[%add3A_483, %dma_start3A_489] : memref<12288x64xf32, #tpu.memory_space<hbm>> -> memref<128x64xf32, #tpu.memory_space<hbm>>
    %dma_start3A_491 = arith.constant 256 : i32
    %dma_start3A_492 = arith.constant 0 : i32
    %dma_start3A_493 = tpu.memref_slice %arg7[%dma_start3A_491, %dma_start3A_492] : memref<384x64xf32, #tpu.memory_space<vmem>> -> memref<128x64xf32, #tpu.memory_space<vmem>>
    tpu.enqueue_dma source(%dma_start3A_493 : memref<128x64xf32, #tpu.memory_space<vmem>>) target(%dma_start3A_490 : memref<128x64xf32, #tpu.memory_space<hbm>>) target_semaphore(%arg11 : memref<!tpu.dma_semaphore, #tpu.memory_space<semaphore_mem>>)
    %dma_wait3A_494 = arith.constant 0 : i32
    %dma_wait3A_495 = arith.constant 0 : i32
    %dma_wait3A_496 = tpu.memref_slice %arg7[%dma_wait3A_494, %dma_wait3A_495] : memref<384x64xf32, #tpu.memory_space<vmem>> -> memref<128x64xf32, #tpu.memory_space<vmem>>
    %dma_wait3A_497 = arith.constant 0 : i32
    %dma_wait3A_498 = tpu.memref_slice %arg4[%add3A_439, %dma_wait3A_497] : memref<12288x64xf32, #tpu.memory_space<hbm>> -> memref<128x64xf32, #tpu.memory_space<hbm>>
    %dma_wait3A_499 = arith.constant 0 : i32
    %dma_wait3A_500 = tpu.memref_slice %arg4[%add3A_439, %dma_wait3A_499] : memref<12288x64xf32, #tpu.memory_space<hbm>> -> memref<128x64xf32, #tpu.memory_space<hbm>>
    %dma_wait3A_501 = arith.constant 0 : i32
    %dma_wait3A_502 = arith.constant 0 : i32
    %dma_wait3A_503 = tpu.memref_slice %arg7[%dma_wait3A_501, %dma_wait3A_502] : memref<384x64xf32, #tpu.memory_space<vmem>> -> memref<128x64xf32, #tpu.memory_space<vmem>>
    tpu.wait_dma2 semaphore(%arg11 : memref<!tpu.dma_semaphore, #tpu.memory_space<semaphore_mem>>) src(%dma_wait3A_503 : memref<128x64xf32, #tpu.memory_space<vmem>>) dst(%dma_wait3A_500 : memref<128x64xf32, #tpu.memory_space<hbm>>)
    %dma_wait3A_504 = arith.constant 128 : i32
    %dma_wait3A_505 = arith.constant 0 : i32
    %dma_wait3A_506 = tpu.memref_slice %arg7[%dma_wait3A_504, %dma_wait3A_505] : memref<384x64xf32, #tpu.memory_space<vmem>> -> memref<128x64xf32, #tpu.memory_space<vmem>>
    %dma_wait3A_507 = arith.constant 0 : i32
    %dma_wait3A_508 = tpu.memref_slice %arg4[%add3A_461, %dma_wait3A_507] : memref<12288x64xf32, #tpu.memory_space<hbm>> -> memref<128x64xf32, #tpu.memory_space<hbm>>
    %dma_wait3A_509 = arith.constant 0 : i32
    %dma_wait3A_510 = tpu.memref_slice %arg4[%add3A_461, %dma_wait3A_509] : memref<12288x64xf32, #tpu.memory_space<hbm>> -> memref<128x64xf32, #tpu.memory_space<hbm>>
    %dma_wait3A_511 = arith.constant 128 : i32
    %dma_wait3A_512 = arith.constant 0 : i32
    %dma_wait3A_513 = tpu.memref_slice %arg7[%dma_wait3A_511, %dma_wait3A_512] : memref<384x64xf32, #tpu.memory_space<vmem>> -> memref<128x64xf32, #tpu.memory_space<vmem>>
    tpu.wait_dma2 semaphore(%arg11 : memref<!tpu.dma_semaphore, #tpu.memory_space<semaphore_mem>>) src(%dma_wait3A_513 : memref<128x64xf32, #tpu.memory_space<vmem>>) dst(%dma_wait3A_510 : memref<128x64xf32, #tpu.memory_space<hbm>>)
    %dma_wait3A_514 = arith.constant 256 : i32
    %dma_wait3A_515 = arith.constant 0 : i32
    %dma_wait3A_516 = tpu.memref_slice %arg7[%dma_wait3A_514, %dma_wait3A_515] : memref<384x64xf32, #tpu.memory_space<vmem>> -> memref<128x64xf32, #tpu.memory_space<vmem>>
    %dma_wait3A_517 = arith.constant 0 : i32
    %dma_wait3A_518 = tpu.memref_slice %arg4[%add3A_483, %dma_wait3A_517] : memref<12288x64xf32, #tpu.memory_space<hbm>> -> memref<128x64xf32, #tpu.memory_space<hbm>>
    %dma_wait3A_519 = arith.constant 0 : i32
    %dma_wait3A_520 = tpu.memref_slice %arg4[%add3A_483, %dma_wait3A_519] : memref<12288x64xf32, #tpu.memory_space<hbm>> -> memref<128x64xf32, #tpu.memory_space<hbm>>
    %dma_wait3A_521 = arith.constant 256 : i32
    %dma_wait3A_522 = arith.constant 0 : i32
    %dma_wait3A_523 = tpu.memref_slice %arg7[%dma_wait3A_521, %dma_wait3A_522] : memref<384x64xf32, #tpu.memory_space<vmem>> -> memref<128x64xf32, #tpu.memory_space<vmem>>
    tpu.wait_dma2 semaphore(%arg11 : memref<!tpu.dma_semaphore, #tpu.memory_space<semaphore_mem>>) src(%dma_wait3A_523 : memref<128x64xf32, #tpu.memory_space<vmem>>) dst(%dma_wait3A_520 : memref<128x64xf32, #tpu.memory_space<hbm>>)
    return
  }
}

#map = affine_map<(d0, d1) -> (0, 0)>
module attributes {stable_mosaic.version = 14 : i64} {
  func.func @_sc_body(%arg0: i32, %arg1: i32, %arg2: memref<4096x4xf32, #tpu.memory_space<hbm>>, %arg3: memref<4096x64xf32, #tpu.memory_space<hbm>>, %arg4: memref<12288x64xf32, #tpu.memory_space<hbm>>, %arg5: memref<64x4xf32, #tpu.memory_space<vmem>>, %arg6: memref<384xi32, #tpu.memory_space<vmem>>, %arg7: memref<384x64xf32, #tpu.memory_space<vmem>>, %arg8: memref<4096x64xf32, #tpu.memory_space<vmem_shared>>, %arg9: memref<!tpu.dma_semaphore, #tpu.memory_space<semaphore_mem>>, %arg10: memref<!tpu.dma_semaphore, #tpu.memory_space<semaphore_mem>>, %arg11: memref<!tpu.dma_semaphore, #tpu.memory_space<semaphore_mem>>) attributes {dimension_semantics = [#tpu.dimension_semantics<core_parallel>, #tpu.dimension_semantics<subcore_parallel>], iteration_bounds = array<i64: 2, 16>, scalar_prefetch = 0 : i64, scratch_operands = 7 : i64, tpu.core_type = #tpu.core_type<sc_vector_subcore>, window_params = [{transform_indices = #map}, {transform_indices = #map}, {transform_indices = #map}]} {
    %mul3A = arith.constant 2 : i32
    %mul3A_0 = arith.muli %arg1, %mul3A : i32
    %add3A = arith.addi %mul3A_0, %arg0 : i32
    %mul3A_1 = arith.constant 256 : i32
    %mul3A_2 = arith.muli %arg1, %mul3A_1 : i32
    %mul3A_3 = arith.constant 256 : i32
    %mul3A_4 = arith.muli %arg1, %mul3A_3 : i32
    %dma_start3A = arith.constant 0 : i32
    %dma_start3A_5 = tpu.memref_slice %arg8[%mul3A_4, %dma_start3A] : memref<4096x64xf32, #tpu.memory_space<vmem_shared>> -> memref<256x64xf32, #tpu.memory_space<vmem_shared>>
    %dma_start3A_6 = arith.constant 0 : i32
    %dma_start3A_7 = tpu.memref_slice %arg3[%mul3A_2, %dma_start3A_6] : memref<4096x64xf32, #tpu.memory_space<hbm>> -> memref<256x64xf32, #tpu.memory_space<hbm>>
    tpu.enqueue_dma source(%dma_start3A_7 : memref<256x64xf32, #tpu.memory_space<hbm>>) target(%dma_start3A_5 : memref<256x64xf32, #tpu.memory_space<vmem_shared>>) target_semaphore(%arg9 : memref<!tpu.dma_semaphore, #tpu.memory_space<semaphore_mem>>)
    %mul3A_8 = arith.constant 64 : i32
    %mul3A_9 = arith.muli %add3A, %mul3A_8 : i32
    %add3A_10 = arith.constant 2048 : i32
    %add3A_11 = arith.addi %add3A_10, %mul3A_9 : i32
    "tpu.region"() ({
      %run_scoped3A = tpu.sem_alloc : memref<!tpu.dma_semaphore, #tpu.memory_space<semaphore_mem>>
      %dma_start3A_524 = arith.constant 0 : i32
      %dma_start3A_525 = tpu.memref_slice %arg2[%add3A_11, %dma_start3A_524] : memref<4096x4xf32, #tpu.memory_space<hbm>> -> memref<64x4xf32, #tpu.memory_space<hbm>>
      %dma_start3A_526 = arith.constant 0 : i32
      %dma_start3A_527 = tpu.memref_slice %arg2[%add3A_11, %dma_start3A_526] : memref<4096x4xf32, #tpu.memory_space<hbm>> -> memref<64x4xf32, #tpu.memory_space<hbm>>
      tpu.enqueue_dma source(%dma_start3A_527 : memref<64x4xf32, #tpu.memory_space<hbm>>) target(%arg5 : memref<64x4xf32, #tpu.memory_space<vmem>>) target_semaphore(%run_scoped3A : memref<!tpu.dma_semaphore, #tpu.memory_space<semaphore_mem>>)
      %dma_wait3A_528 = arith.constant 0 : i32
      %dma_wait3A_529 = tpu.memref_slice %arg2[%add3A_11, %dma_wait3A_528] : memref<4096x4xf32, #tpu.memory_space<hbm>> -> memref<64x4xf32, #tpu.memory_space<hbm>>
      %dma_wait3A_530 = arith.constant 0 : i32
      %dma_wait3A_531 = tpu.memref_slice %arg2[%add3A_11, %dma_wait3A_530] : memref<4096x4xf32, #tpu.memory_space<hbm>> -> memref<64x4xf32, #tpu.memory_space<hbm>>
      tpu.wait_dma2 semaphore(%run_scoped3A : memref<!tpu.dma_semaphore, #tpu.memory_space<semaphore_mem>>) src(%dma_wait3A_531 : memref<64x4xf32, #tpu.memory_space<hbm>>) dst(%arg5 : memref<64x4xf32, #tpu.memory_space<vmem>>)
      tpu.yield
    }) : () -> ()
    %iota3A = tpu.iota {dimensions = array<i32: 0>} : vector<16xi32>
    %add3A_12 = arith.constant 0 : i32
    %add3A_13 = vector.broadcast %add3A_12 : i32 to vector<16xi32>
    %add3A_14 = arith.addi %iota3A, %add3A_13 : vector<16xi32>
    %broadcast_in_dim3A = arith.constant 0 : i32
    %broadcast_in_dim3A_15 = vector.broadcast %broadcast_in_dim3A : i32 to vector<16xi32>
    %gather3A = tpu.vector_load_idx %arg5[%add3A_14, %broadcast_in_dim3A_15] : memref<64x4xf32, #tpu.memory_space<vmem>>[vector<16xi32>, vector<16xi32>], vector<16xf32>,
    %mul3A_16 = arith.constant 1.023000e+03 : f32
    %mul3A_17 = vector.broadcast %mul3A_16 : f32 to vector<16xf32>
    %mul3A_18 = arith.mulf %gather3A, %mul3A_17 : vector<16xf32>
    %convert_element_type3A = arith.fptosi %mul3A_18 : vector<16xf32> to vector<16xi32>
    %jit3A = arith.constant 0 : i32
    %jit3A_19 = arith.constant 1023 : i32
    %max3A = vector.broadcast %jit3A : i32 to vector<16xi32>
    %max3A_20 = arith.maxsi %max3A, %convert_element_type3A : vector<16xi32>
    %min3A = vector.broadcast %jit3A_19 : i32 to vector<16xi32>
    %min3A_21 = arith.minsi %min3A, %max3A_20 : vector<16xi32>
    %broadcast_in_dim3A_22 = arith.constant 1 : i32
    %broadcast_in_dim3A_23 = vector.broadcast %broadcast_in_dim3A_22 : i32 to vector<16xi32>
    %gather3A_24 = tpu.vector_load_idx %arg5[%add3A_14, %broadcast_in_dim3A_23] : memref<64x4xf32, #tpu.memory_space<vmem>>[vector<16xi32>, vector<16xi32>], vector<16xf32>,
    %mul3A_25 = arith.constant 1.023000e+03 : f32
    %mul3A_26 = vector.broadcast %mul3A_25 : f32 to vector<16xf32>
    %mul3A_27 = arith.mulf %gather3A_24, %mul3A_26 : vector<16xf32>
    %convert_element_type3A_28 = arith.fptosi %mul3A_27 : vector<16xf32> to vector<16xi32>
    %jit3A_29 = arith.constant 0 : i32
    %jit3A_30 = arith.constant 1023 : i32
    %max3A_31 = vector.broadcast %jit3A_29 : i32 to vector<16xi32>
    %max3A_32 = arith.maxsi %max3A_31, %convert_element_type3A_28 : vector<16xi32>
    %min3A_33 = vector.broadcast %jit3A_30 : i32 to vector<16xi32>
    %min3A_34 = arith.minsi %min3A_33, %max3A_32 : vector<16xi32>
    %broadcast_in_dim3A_35 = arith.constant 2 : i32
    %broadcast_in_dim3A_36 = vector.broadcast %broadcast_in_dim3A_35 : i32 to vector<16xi32>
    %gather3A_37 = tpu.vector_load_idx %arg5[%add3A_14, %broadcast_in_dim3A_36] : memref<64x4xf32, #tpu.memory_space<vmem>>[vector<16xi32>, vector<16xi32>], vector<16xf32>,
    %mul3A_38 = arith.constant 1.023000e+03 : f32
    %mul3A_39 = vector.broadcast %mul3A_38 : f32 to vector<16xf32>
    %mul3A_40 = arith.mulf %gather3A_37, %mul3A_39 : vector<16xf32>
    %convert_element_type3A_41 = arith.fptosi %mul3A_40 : vector<16xf32> to vector<16xi32>
    %jit3A_42 = arith.constant 0 : i32
    %jit3A_43 = arith.constant 1023 : i32
    %max3A_44 = vector.broadcast %jit3A_42 : i32 to vector<16xi32>
    %max3A_45 = arith.maxsi %max3A_44, %convert_element_type3A_41 : vector<16xi32>
    %min3A_46 = vector.broadcast %jit3A_43 : i32 to vector<16xi32>
    %min3A_47 = arith.minsi %min3A_46, %max3A_45 : vector<16xi32>
    %broadcast_in_dim3A_48 = arith.constant 3 : i32
    %broadcast_in_dim3A_49 = vector.broadcast %broadcast_in_dim3A_48 : i32 to vector<16xi32>
    %gather3A_50 = tpu.vector_load_idx %arg5[%add3A_14, %broadcast_in_dim3A_49] : memref<64x4xf32, #tpu.memory_space<vmem>>[vector<16xi32>, vector<16xi32>], vector<16xf32>,
    %mul3A_51 = arith.constant 1.023000e+03 : f32
    %mul3A_52 = vector.broadcast %mul3A_51 : f32 to vector<16xf32>
    %mul3A_53 = arith.mulf %gather3A_50, %mul3A_52 : vector<16xf32>
    %convert_element_type3A_54 = arith.fptosi %mul3A_53 : vector<16xf32> to vector<16xi32>
    %jit3A_55 = arith.constant 0 : i32
    %jit3A_56 = arith.constant 1023 : i32
    %max3A_57 = vector.broadcast %jit3A_55 : i32 to vector<16xi32>
    %max3A_58 = arith.maxsi %max3A_57, %convert_element_type3A_54 : vector<16xi32>
    %min3A_59 = vector.broadcast %jit3A_56 : i32 to vector<16xi32>
    %min3A_60 = arith.minsi %min3A_59, %max3A_58 : vector<16xi32>
    %sub3A = arith.subi %min3A_47, %min3A_21 : vector<16xi32>
    %jit3A_61 = arith.constant 0 : i32
    %jit3A_62 = arith.constant 1023 : i32
    %max3A_63 = vector.broadcast %jit3A_61 : i32 to vector<16xi32>
    %max3A_64 = arith.maxsi %max3A_63, %sub3A : vector<16xi32>
    %min3A_65 = vector.broadcast %jit3A_62 : i32 to vector<16xi32>
    %min3A_66 = arith.minsi %min3A_65, %max3A_64 : vector<16xi32>
    %sub3A_67 = arith.subi %min3A_60, %min3A_34 : vector<16xi32>
    %jit3A_68 = arith.constant 0 : i32
    %jit3A_69 = arith.constant 1023 : i32
    %max3A_70 = vector.broadcast %jit3A_68 : i32 to vector<16xi32>
    %max3A_71 = arith.maxsi %max3A_70, %sub3A_67 : vector<16xi32>
    %min3A_72 = vector.broadcast %jit3A_69 : i32 to vector<16xi32>
    %min3A_73 = arith.minsi %min3A_72, %max3A_71 : vector<16xi32>
    %mul3A_74 = arith.constant 6 : i32
    %mul3A_75 = vector.broadcast %mul3A_74 : i32 to vector<16xi32>
    %mul3A_76 = arith.muli %add3A_14, %mul3A_75 : vector<16xi32>
    tpu.vector_store_idx %arg6[%mul3A_76], %min3A_21 : memref<384xi32, #tpu.memory_space<vmem>>[vector<16xi32>], vector<16xi32>,
    %add3A_77 = arith.constant 1 : i32
    %add3A_78 = vector.broadcast %add3A_77 : i32 to vector<16xi32>
    %add3A_79 = arith.addi %mul3A_76, %add3A_78 : vector<16xi32>
    %add3A_80 = arith.constant 1024 : i32
    %add3A_81 = vector.broadcast %add3A_80 : i32 to vector<16xi32>
    %add3A_82 = arith.addi %min3A_34, %add3A_81 : vector<16xi32>
    tpu.vector_store_idx %arg6[%add3A_79], %add3A_82 : memref<384xi32, #tpu.memory_space<vmem>>[vector<16xi32>], vector<16xi32>,
    %add3A_83 = arith.constant 2 : i32
    %add3A_84 = vector.broadcast %add3A_83 : i32 to vector<16xi32>
    %add3A_85 = arith.addi %mul3A_76, %add3A_84 : vector<16xi32>
    tpu.vector_store_idx %arg6[%add3A_85], %min3A_47 : memref<384xi32, #tpu.memory_space<vmem>>[vector<16xi32>], vector<16xi32>,
    %add3A_86 = arith.constant 3 : i32
    %add3A_87 = vector.broadcast %add3A_86 : i32 to vector<16xi32>
    %add3A_88 = arith.addi %mul3A_76, %add3A_87 : vector<16xi32>
    %add3A_89 = arith.constant 1024 : i32
    %add3A_90 = vector.broadcast %add3A_89 : i32 to vector<16xi32>
    %add3A_91 = arith.addi %min3A_60, %add3A_90 : vector<16xi32>
    tpu.vector_store_idx %arg6[%add3A_88], %add3A_91 : memref<384xi32, #tpu.memory_space<vmem>>[vector<16xi32>], vector<16xi32>,
    %add3A_92 = arith.constant 4 : i32
    %add3A_93 = vector.broadcast %add3A_92 : i32 to vector<16xi32>
    %add3A_94 = arith.addi %mul3A_76, %add3A_93 : vector<16xi32>
    %add3A_95 = arith.constant 2048 : i32
    %add3A_96 = vector.broadcast %add3A_95 : i32 to vector<16xi32>
    %add3A_97 = arith.addi %min3A_66, %add3A_96 : vector<16xi32>
    tpu.vector_store_idx %arg6[%add3A_94], %add3A_97 : memref<384xi32, #tpu.memory_space<vmem>>[vector<16xi32>], vector<16xi32>,
    %add3A_98 = arith.constant 5 : i32
    %add3A_99 = vector.broadcast %add3A_98 : i32 to vector<16xi32>
    %add3A_100 = arith.addi %mul3A_76, %add3A_99 : vector<16xi32>
    %add3A_101 = arith.constant 3072 : i32
    %add3A_102 = vector.broadcast %add3A_101 : i32 to vector<16xi32>
    %add3A_103 = arith.addi %min3A_73, %add3A_102 : vector<16xi32>
    tpu.vector_store_idx %arg6[%add3A_100], %add3A_103 : memref<384xi32, #tpu.memory_space<vmem>>[vector<16xi32>], vector<16xi32>,
    %add3A_104 = arith.constant 16 : i32
    %add3A_105 = vector.broadcast %add3A_104 : i32 to vector<16xi32>
    %add3A_106 = arith.addi %iota3A, %add3A_105 : vector<16xi32>
    %broadcast_in_dim3A_107 = arith.constant 0 : i32
    %broadcast_in_dim3A_108 = vector.broadcast %broadcast_in_dim3A_107 : i32 to vector<16xi32>
    %gather3A_109 = tpu.vector_load_idx %arg5[%add3A_106, %broadcast_in_dim3A_108] : memref<64x4xf32, #tpu.memory_space<vmem>>[vector<16xi32>, vector<16xi32>], vector<16xf32>,
    %mul3A_110 = arith.constant 1.023000e+03 : f32
    %mul3A_111 = vector.broadcast %mul3A_110 : f32 to vector<16xf32>
    %mul3A_112 = arith.mulf %gather3A_109, %mul3A_111 : vector<16xf32>
    %convert_element_type3A_113 = arith.fptosi %mul3A_112 : vector<16xf32> to vector<16xi32>
    %jit3A_114 = arith.constant 0 : i32
    %jit3A_115 = arith.constant 1023 : i32
    %max3A_116 = vector.broadcast %jit3A_114 : i32 to vector<16xi32>
    %max3A_117 = arith.maxsi %max3A_116, %convert_element_type3A_113 : vector<16xi32>
    %min3A_118 = vector.broadcast %jit3A_115 : i32 to vector<16xi32>
    %min3A_119 = arith.minsi %min3A_118, %max3A_117 : vector<16xi32>
    %broadcast_in_dim3A_120 = arith.constant 1 : i32
    %broadcast_in_dim3A_121 = vector.broadcast %broadcast_in_dim3A_120 : i32 to vector<16xi32>
    %gather3A_122 = tpu.vector_load_idx %arg5[%add3A_106, %broadcast_in_dim3A_121] : memref<64x4xf32, #tpu.memory_space<vmem>>[vector<16xi32>, vector<16xi32>], vector<16xf32>,
    %mul3A_123 = arith.constant 1.023000e+03 : f32
    %mul3A_124 = vector.broadcast %mul3A_123 : f32 to vector<16xf32>
    %mul3A_125 = arith.mulf %gather3A_122, %mul3A_124 : vector<16xf32>
    %convert_element_type3A_126 = arith.fptosi %mul3A_125 : vector<16xf32> to vector<16xi32>
    %jit3A_127 = arith.constant 0 : i32
    %jit3A_128 = arith.constant 1023 : i32
    %max3A_129 = vector.broadcast %jit3A_127 : i32 to vector<16xi32>
    %max3A_130 = arith.maxsi %max3A_129, %convert_element_type3A_126 : vector<16xi32>
    %min3A_131 = vector.broadcast %jit3A_128 : i32 to vector<16xi32>
    %min3A_132 = arith.minsi %min3A_131, %max3A_130 : vector<16xi32>
    %broadcast_in_dim3A_133 = arith.constant 2 : i32
    %broadcast_in_dim3A_134 = vector.broadcast %broadcast_in_dim3A_133 : i32 to vector<16xi32>
    %gather3A_135 = tpu.vector_load_idx %arg5[%add3A_106, %broadcast_in_dim3A_134] : memref<64x4xf32, #tpu.memory_space<vmem>>[vector<16xi32>, vector<16xi32>], vector<16xf32>,
    %mul3A_136 = arith.constant 1.023000e+03 : f32
    %mul3A_137 = vector.broadcast %mul3A_136 : f32 to vector<16xf32>
    %mul3A_138 = arith.mulf %gather3A_135, %mul3A_137 : vector<16xf32>
    %convert_element_type3A_139 = arith.fptosi %mul3A_138 : vector<16xf32> to vector<16xi32>
    %jit3A_140 = arith.constant 0 : i32
    %jit3A_141 = arith.constant 1023 : i32
    %max3A_142 = vector.broadcast %jit3A_140 : i32 to vector<16xi32>
    %max3A_143 = arith.maxsi %max3A_142, %convert_element_type3A_139 : vector<16xi32>
    %min3A_144 = vector.broadcast %jit3A_141 : i32 to vector<16xi32>
    %min3A_145 = arith.minsi %min3A_144, %max3A_143 : vector<16xi32>
    %broadcast_in_dim3A_146 = arith.constant 3 : i32
    %broadcast_in_dim3A_147 = vector.broadcast %broadcast_in_dim3A_146 : i32 to vector<16xi32>
    %gather3A_148 = tpu.vector_load_idx %arg5[%add3A_106, %broadcast_in_dim3A_147] : memref<64x4xf32, #tpu.memory_space<vmem>>[vector<16xi32>, vector<16xi32>], vector<16xf32>,
    %mul3A_149 = arith.constant 1.023000e+03 : f32
    %mul3A_150 = vector.broadcast %mul3A_149 : f32 to vector<16xf32>
    %mul3A_151 = arith.mulf %gather3A_148, %mul3A_150 : vector<16xf32>
    %convert_element_type3A_152 = arith.fptosi %mul3A_151 : vector<16xf32> to vector<16xi32>
    %jit3A_153 = arith.constant 0 : i32
    %jit3A_154 = arith.constant 1023 : i32
    %max3A_155 = vector.broadcast %jit3A_153 : i32 to vector<16xi32>
    %max3A_156 = arith.maxsi %max3A_155, %convert_element_type3A_152 : vector<16xi32>
    %min3A_157 = vector.broadcast %jit3A_154 : i32 to vector<16xi32>
    %min3A_158 = arith.minsi %min3A_157, %max3A_156 : vector<16xi32>
    %sub3A_159 = arith.subi %min3A_145, %min3A_119 : vector<16xi32>
    %jit3A_160 = arith.constant 0 : i32
    %jit3A_161 = arith.constant 1023 : i32
    %max3A_162 = vector.broadcast %jit3A_160 : i32 to vector<16xi32>
    %max3A_163 = arith.maxsi %max3A_162, %sub3A_159 : vector<16xi32>
    %min3A_164 = vector.broadcast %jit3A_161 : i32 to vector<16xi32>
    %min3A_165 = arith.minsi %min3A_164, %max3A_163 : vector<16xi32>
    %sub3A_166 = arith.subi %min3A_158, %min3A_132 : vector<16xi32>
    %jit3A_167 = arith.constant 0 : i32
    %jit3A_168 = arith.constant 1023 : i32
    %max3A_169 = vector.broadcast %jit3A_167 : i32 to vector<16xi32>
    %max3A_170 = arith.maxsi %max3A_169, %sub3A_166 : vector<16xi32>
    %min3A_171 = vector.broadcast %jit3A_168 : i32 to vector<16xi32>
    %min3A_172 = arith.minsi %min3A_171, %max3A_170 : vector<16xi32>
    %mul3A_173 = arith.constant 6 : i32
    %mul3A_174 = vector.broadcast %mul3A_173 : i32 to vector<16xi32>
    %mul3A_175 = arith.muli %add3A_106, %mul3A_174 : vector<16xi32>
    tpu.vector_store_idx %arg6[%mul3A_175], %min3A_119 : memref<384xi32, #tpu.memory_space<vmem>>[vector<16xi32>], vector<16xi32>,
    %add3A_176 = arith.constant 1 : i32
    %add3A_177 = vector.broadcast %add3A_176 : i32 to vector<16xi32>
    %add3A_178 = arith.addi %mul3A_175, %add3A_177 : vector<16xi32>
    %add3A_179 = arith.constant 1024 : i32
    %add3A_180 = vector.broadcast %add3A_179 : i32 to vector<16xi32>
    %add3A_181 = arith.addi %min3A_132, %add3A_180 : vector<16xi32>
    tpu.vector_store_idx %arg6[%add3A_178], %add3A_181 : memref<384xi32, #tpu.memory_space<vmem>>[vector<16xi32>], vector<16xi32>,
    %add3A_182 = arith.constant 2 : i32
    %add3A_183 = vector.broadcast %add3A_182 : i32 to vector<16xi32>
    %add3A_184 = arith.addi %mul3A_175, %add3A_183 : vector<16xi32>
    tpu.vector_store_idx %arg6[%add3A_184], %min3A_145 : memref<384xi32, #tpu.memory_space<vmem>>[vector<16xi32>], vector<16xi32>,
    %add3A_185 = arith.constant 3 : i32
    %add3A_186 = vector.broadcast %add3A_185 : i32 to vector<16xi32>
    %add3A_187 = arith.addi %mul3A_175, %add3A_186 : vector<16xi32>
    %add3A_188 = arith.constant 1024 : i32
    %add3A_189 = vector.broadcast %add3A_188 : i32 to vector<16xi32>
    %add3A_190 = arith.addi %min3A_158, %add3A_189 : vector<16xi32>
    tpu.vector_store_idx %arg6[%add3A_187], %add3A_190 : memref<384xi32, #tpu.memory_space<vmem>>[vector<16xi32>], vector<16xi32>,
    %add3A_191 = arith.constant 4 : i32
    %add3A_192 = vector.broadcast %add3A_191 : i32 to vector<16xi32>
    %add3A_193 = arith.addi %mul3A_175, %add3A_192 : vector<16xi32>
    %add3A_194 = arith.constant 2048 : i32
    %add3A_195 = vector.broadcast %add3A_194 : i32 to vector<16xi32>
    %add3A_196 = arith.addi %min3A_165, %add3A_195 : vector<16xi32>
    tpu.vector_store_idx %arg6[%add3A_193], %add3A_196 : memref<384xi32, #tpu.memory_space<vmem>>[vector<16xi32>], vector<16xi32>,
    %add3A_197 = arith.constant 5 : i32
    %add3A_198 = vector.broadcast %add3A_197 : i32 to vector<16xi32>
    %add3A_199 = arith.addi %mul3A_175, %add3A_198 : vector<16xi32>
    %add3A_200 = arith.constant 3072 : i32
    %add3A_201 = vector.broadcast %add3A_200 : i32 to vector<16xi32>
    %add3A_202 = arith.addi %min3A_172, %add3A_201 : vector<16xi32>
    tpu.vector_store_idx %arg6[%add3A_199], %add3A_202 : memref<384xi32, #tpu.memory_space<vmem>>[vector<16xi32>], vector<16xi32>,
    %add3A_203 = arith.constant 32 : i32
    %add3A_204 = vector.broadcast %add3A_203 : i32 to vector<16xi32>
    %add3A_205 = arith.addi %iota3A, %add3A_204 : vector<16xi32>
    %broadcast_in_dim3A_206 = arith.constant 0 : i32
    %broadcast_in_dim3A_207 = vector.broadcast %broadcast_in_dim3A_206 : i32 to vector<16xi32>
    %gather3A_208 = tpu.vector_load_idx %arg5[%add3A_205, %broadcast_in_dim3A_207] : memref<64x4xf32, #tpu.memory_space<vmem>>[vector<16xi32>, vector<16xi32>], vector<16xf32>,
    %mul3A_209 = arith.constant 1.023000e+03 : f32
    %mul3A_210 = vector.broadcast %mul3A_209 : f32 to vector<16xf32>
    %mul3A_211 = arith.mulf %gather3A_208, %mul3A_210 : vector<16xf32>
    %convert_element_type3A_212 = arith.fptosi %mul3A_211 : vector<16xf32> to vector<16xi32>
    %jit3A_213 = arith.constant 0 : i32
    %jit3A_214 = arith.constant 1023 : i32
    %max3A_215 = vector.broadcast %jit3A_213 : i32 to vector<16xi32>
    %max3A_216 = arith.maxsi %max3A_215, %convert_element_type3A_212 : vector<16xi32>
    %min3A_217 = vector.broadcast %jit3A_214 : i32 to vector<16xi32>
    %min3A_218 = arith.minsi %min3A_217, %max3A_216 : vector<16xi32>
    %broadcast_in_dim3A_219 = arith.constant 1 : i32
    %broadcast_in_dim3A_220 = vector.broadcast %broadcast_in_dim3A_219 : i32 to vector<16xi32>
    %gather3A_221 = tpu.vector_load_idx %arg5[%add3A_205, %broadcast_in_dim3A_220] : memref<64x4xf32, #tpu.memory_space<vmem>>[vector<16xi32>, vector<16xi32>], vector<16xf32>,
    %mul3A_222 = arith.constant 1.023000e+03 : f32
    %mul3A_223 = vector.broadcast %mul3A_222 : f32 to vector<16xf32>
    %mul3A_224 = arith.mulf %gather3A_221, %mul3A_223 : vector<16xf32>
    %convert_element_type3A_225 = arith.fptosi %mul3A_224 : vector<16xf32> to vector<16xi32>
    %jit3A_226 = arith.constant 0 : i32
    %jit3A_227 = arith.constant 1023 : i32
    %max3A_228 = vector.broadcast %jit3A_226 : i32 to vector<16xi32>
    %max3A_229 = arith.maxsi %max3A_228, %convert_element_type3A_225 : vector<16xi32>
    %min3A_230 = vector.broadcast %jit3A_227 : i32 to vector<16xi32>
    %min3A_231 = arith.minsi %min3A_230, %max3A_229 : vector<16xi32>
    %broadcast_in_dim3A_232 = arith.constant 2 : i32
    %broadcast_in_dim3A_233 = vector.broadcast %broadcast_in_dim3A_232 : i32 to vector<16xi32>
    %gather3A_234 = tpu.vector_load_idx %arg5[%add3A_205, %broadcast_in_dim3A_233] : memref<64x4xf32, #tpu.memory_space<vmem>>[vector<16xi32>, vector<16xi32>], vector<16xf32>,
    %mul3A_235 = arith.constant 1.023000e+03 : f32
    %mul3A_236 = vector.broadcast %mul3A_235 : f32 to vector<16xf32>
    %mul3A_237 = arith.mulf %gather3A_234, %mul3A_236 : vector<16xf32>
    %convert_element_type3A_238 = arith.fptosi %mul3A_237 : vector<16xf32> to vector<16xi32>
    %jit3A_239 = arith.constant 0 : i32
    %jit3A_240 = arith.constant 1023 : i32
    %max3A_241 = vector.broadcast %jit3A_239 : i32 to vector<16xi32>
    %max3A_242 = arith.maxsi %max3A_241, %convert_element_type3A_238 : vector<16xi32>
    %min3A_243 = vector.broadcast %jit3A_240 : i32 to vector<16xi32>
    %min3A_244 = arith.minsi %min3A_243, %max3A_242 : vector<16xi32>
    %broadcast_in_dim3A_245 = arith.constant 3 : i32
    %broadcast_in_dim3A_246 = vector.broadcast %broadcast_in_dim3A_245 : i32 to vector<16xi32>
    %gather3A_247 = tpu.vector_load_idx %arg5[%add3A_205, %broadcast_in_dim3A_246] : memref<64x4xf32, #tpu.memory_space<vmem>>[vector<16xi32>, vector<16xi32>], vector<16xf32>,
    %mul3A_248 = arith.constant 1.023000e+03 : f32
    %mul3A_249 = vector.broadcast %mul3A_248 : f32 to vector<16xf32>
    %mul3A_250 = arith.mulf %gather3A_247, %mul3A_249 : vector<16xf32>
    %convert_element_type3A_251 = arith.fptosi %mul3A_250 : vector<16xf32> to vector<16xi32>
    %jit3A_252 = arith.constant 0 : i32
    %jit3A_253 = arith.constant 1023 : i32
    %max3A_254 = vector.broadcast %jit3A_252 : i32 to vector<16xi32>
    %max3A_255 = arith.maxsi %max3A_254, %convert_element_type3A_251 : vector<16xi32>
    %min3A_256 = vector.broadcast %jit3A_253 : i32 to vector<16xi32>
    %min3A_257 = arith.minsi %min3A_256, %max3A_255 : vector<16xi32>
    %sub3A_258 = arith.subi %min3A_244, %min3A_218 : vector<16xi32>
    %jit3A_259 = arith.constant 0 : i32
    %jit3A_260 = arith.constant 1023 : i32
    %max3A_261 = vector.broadcast %jit3A_259 : i32 to vector<16xi32>
    %max3A_262 = arith.maxsi %max3A_261, %sub3A_258 : vector<16xi32>
    %min3A_263 = vector.broadcast %jit3A_260 : i32 to vector<16xi32>
    %min3A_264 = arith.minsi %min3A_263, %max3A_262 : vector<16xi32>
    %sub3A_265 = arith.subi %min3A_257, %min3A_231 : vector<16xi32>
    %jit3A_266 = arith.constant 0 : i32
    %jit3A_267 = arith.constant 1023 : i32
    %max3A_268 = vector.broadcast %jit3A_266 : i32 to vector<16xi32>
    %max3A_269 = arith.maxsi %max3A_268, %sub3A_265 : vector<16xi32>
    %min3A_270 = vector.broadcast %jit3A_267 : i32 to vector<16xi32>
    %min3A_271 = arith.minsi %min3A_270, %max3A_269 : vector<16xi32>
    %mul3A_272 = arith.constant 6 : i32
    %mul3A_273 = vector.broadcast %mul3A_272 : i32 to vector<16xi32>
    %mul3A_274 = arith.muli %add3A_205, %mul3A_273 : vector<16xi32>
    tpu.vector_store_idx %arg6[%mul3A_274], %min3A_218 : memref<384xi32, #tpu.memory_space<vmem>>[vector<16xi32>], vector<16xi32>,
    %add3A_275 = arith.constant 1 : i32
    %add3A_276 = vector.broadcast %add3A_275 : i32 to vector<16xi32>
    %add3A_277 = arith.addi %mul3A_274, %add3A_276 : vector<16xi32>
    %add3A_278 = arith.constant 1024 : i32
    %add3A_279 = vector.broadcast %add3A_278 : i32 to vector<16xi32>
    %add3A_280 = arith.addi %min3A_231, %add3A_279 : vector<16xi32>
    tpu.vector_store_idx %arg6[%add3A_277], %add3A_280 : memref<384xi32, #tpu.memory_space<vmem>>[vector<16xi32>], vector<16xi32>,
    %add3A_281 = arith.constant 2 : i32
    %add3A_282 = vector.broadcast %add3A_281 : i32 to vector<16xi32>
    %add3A_283 = arith.addi %mul3A_274, %add3A_282 : vector<16xi32>
    tpu.vector_store_idx %arg6[%add3A_283], %min3A_244 : memref<384xi32, #tpu.memory_space<vmem>>[vector<16xi32>], vector<16xi32>,
    %add3A_284 = arith.constant 3 : i32
    %add3A_285 = vector.broadcast %add3A_284 : i32 to vector<16xi32>
    %add3A_286 = arith.addi %mul3A_274, %add3A_285 : vector<16xi32>
    %add3A_287 = arith.constant 1024 : i32
    %add3A_288 = vector.broadcast %add3A_287 : i32 to vector<16xi32>
    %add3A_289 = arith.addi %min3A_257, %add3A_288 : vector<16xi32>
    tpu.vector_store_idx %arg6[%add3A_286], %add3A_289 : memref<384xi32, #tpu.memory_space<vmem>>[vector<16xi32>], vector<16xi32>,
    %add3A_290 = arith.constant 4 : i32
    %add3A_291 = vector.broadcast %add3A_290 : i32 to vector<16xi32>
    %add3A_292 = arith.addi %mul3A_274, %add3A_291 : vector<16xi32>
    %add3A_293 = arith.constant 2048 : i32
    %add3A_294 = vector.broadcast %add3A_293 : i32 to vector<16xi32>
    %add3A_295 = arith.addi %min3A_264, %add3A_294 : vector<16xi32>
    tpu.vector_store_idx %arg6[%add3A_292], %add3A_295 : memref<384xi32, #tpu.memory_space<vmem>>[vector<16xi32>], vector<16xi32>,
    %add3A_296 = arith.constant 5 : i32
    %add3A_297 = vector.broadcast %add3A_296 : i32 to vector<16xi32>
    %add3A_298 = arith.addi %mul3A_274, %add3A_297 : vector<16xi32>
    %add3A_299 = arith.constant 3072 : i32
    %add3A_300 = vector.broadcast %add3A_299 : i32 to vector<16xi32>
    %add3A_301 = arith.addi %min3A_271, %add3A_300 : vector<16xi32>
    tpu.vector_store_idx %arg6[%add3A_298], %add3A_301 : memref<384xi32, #tpu.memory_space<vmem>>[vector<16xi32>], vector<16xi32>,
    %add3A_302 = arith.constant 48 : i32
    %add3A_303 = vector.broadcast %add3A_302 : i32 to vector<16xi32>
    %add3A_304 = arith.addi %iota3A, %add3A_303 : vector<16xi32>
    %broadcast_in_dim3A_305 = arith.constant 0 : i32
    %broadcast_in_dim3A_306 = vector.broadcast %broadcast_in_dim3A_305 : i32 to vector<16xi32>
    %gather3A_307 = tpu.vector_load_idx %arg5[%add3A_304, %broadcast_in_dim3A_306] : memref<64x4xf32, #tpu.memory_space<vmem>>[vector<16xi32>, vector<16xi32>], vector<16xf32>,
    %mul3A_308 = arith.constant 1.023000e+03 : f32
    %mul3A_309 = vector.broadcast %mul3A_308 : f32 to vector<16xf32>
    %mul3A_310 = arith.mulf %gather3A_307, %mul3A_309 : vector<16xf32>
    %convert_element_type3A_311 = arith.fptosi %mul3A_310 : vector<16xf32> to vector<16xi32>
    %jit3A_312 = arith.constant 0 : i32
    %jit3A_313 = arith.constant 1023 : i32
    %max3A_314 = vector.broadcast %jit3A_312 : i32 to vector<16xi32>
    %max3A_315 = arith.maxsi %max3A_314, %convert_element_type3A_311 : vector<16xi32>
    %min3A_316 = vector.broadcast %jit3A_313 : i32 to vector<16xi32>
    %min3A_317 = arith.minsi %min3A_316, %max3A_315 : vector<16xi32>
    %broadcast_in_dim3A_318 = arith.constant 1 : i32
    %broadcast_in_dim3A_319 = vector.broadcast %broadcast_in_dim3A_318 : i32 to vector<16xi32>
    %gather3A_320 = tpu.vector_load_idx %arg5[%add3A_304, %broadcast_in_dim3A_319] : memref<64x4xf32, #tpu.memory_space<vmem>>[vector<16xi32>, vector<16xi32>], vector<16xf32>,
    %mul3A_321 = arith.constant 1.023000e+03 : f32
    %mul3A_322 = vector.broadcast %mul3A_321 : f32 to vector<16xf32>
    %mul3A_323 = arith.mulf %gather3A_320, %mul3A_322 : vector<16xf32>
    %convert_element_type3A_324 = arith.fptosi %mul3A_323 : vector<16xf32> to vector<16xi32>
    %jit3A_325 = arith.constant 0 : i32
    %jit3A_326 = arith.constant 1023 : i32
    %max3A_327 = vector.broadcast %jit3A_325 : i32 to vector<16xi32>
    %max3A_328 = arith.maxsi %max3A_327, %convert_element_type3A_324 : vector<16xi32>
    %min3A_329 = vector.broadcast %jit3A_326 : i32 to vector<16xi32>
    %min3A_330 = arith.minsi %min3A_329, %max3A_328 : vector<16xi32>
    %broadcast_in_dim3A_331 = arith.constant 2 : i32
    %broadcast_in_dim3A_332 = vector.broadcast %broadcast_in_dim3A_331 : i32 to vector<16xi32>
    %gather3A_333 = tpu.vector_load_idx %arg5[%add3A_304, %broadcast_in_dim3A_332] : memref<64x4xf32, #tpu.memory_space<vmem>>[vector<16xi32>, vector<16xi32>], vector<16xf32>,
    %mul3A_334 = arith.constant 1.023000e+03 : f32
    %mul3A_335 = vector.broadcast %mul3A_334 : f32 to vector<16xf32>
    %mul3A_336 = arith.mulf %gather3A_333, %mul3A_335 : vector<16xf32>
    %convert_element_type3A_337 = arith.fptosi %mul3A_336 : vector<16xf32> to vector<16xi32>
    %jit3A_338 = arith.constant 0 : i32
    %jit3A_339 = arith.constant 1023 : i32
    %max3A_340 = vector.broadcast %jit3A_338 : i32 to vector<16xi32>
    %max3A_341 = arith.maxsi %max3A_340, %convert_element_type3A_337 : vector<16xi32>
    %min3A_342 = vector.broadcast %jit3A_339 : i32 to vector<16xi32>
    %min3A_343 = arith.minsi %min3A_342, %max3A_341 : vector<16xi32>
    %broadcast_in_dim3A_344 = arith.constant 3 : i32
    %broadcast_in_dim3A_345 = vector.broadcast %broadcast_in_dim3A_344 : i32 to vector<16xi32>
    %gather3A_346 = tpu.vector_load_idx %arg5[%add3A_304, %broadcast_in_dim3A_345] : memref<64x4xf32, #tpu.memory_space<vmem>>[vector<16xi32>, vector<16xi32>], vector<16xf32>,
    %mul3A_347 = arith.constant 1.023000e+03 : f32
    %mul3A_348 = vector.broadcast %mul3A_347 : f32 to vector<16xf32>
    %mul3A_349 = arith.mulf %gather3A_346, %mul3A_348 : vector<16xf32>
    %convert_element_type3A_350 = arith.fptosi %mul3A_349 : vector<16xf32> to vector<16xi32>
    %jit3A_351 = arith.constant 0 : i32
    %jit3A_352 = arith.constant 1023 : i32
    %max3A_353 = vector.broadcast %jit3A_351 : i32 to vector<16xi32>
    %max3A_354 = arith.maxsi %max3A_353, %convert_element_type3A_350 : vector<16xi32>
    %min3A_355 = vector.broadcast %jit3A_352 : i32 to vector<16xi32>
    %min3A_356 = arith.minsi %min3A_355, %max3A_354 : vector<16xi32>
    %sub3A_357 = arith.subi %min3A_343, %min3A_317 : vector<16xi32>
    %jit3A_358 = arith.constant 0 : i32
    %jit3A_359 = arith.constant 1023 : i32
    %max3A_360 = vector.broadcast %jit3A_358 : i32 to vector<16xi32>
    %max3A_361 = arith.maxsi %max3A_360, %sub3A_357 : vector<16xi32>
    %min3A_362 = vector.broadcast %jit3A_359 : i32 to vector<16xi32>
    %min3A_363 = arith.minsi %min3A_362, %max3A_361 : vector<16xi32>
    %sub3A_364 = arith.subi %min3A_356, %min3A_330 : vector<16xi32>
    %jit3A_365 = arith.constant 0 : i32
    %jit3A_366 = arith.constant 1023 : i32
    %max3A_367 = vector.broadcast %jit3A_365 : i32 to vector<16xi32>
    %max3A_368 = arith.maxsi %max3A_367, %sub3A_364 : vector<16xi32>
    %min3A_369 = vector.broadcast %jit3A_366 : i32 to vector<16xi32>
    %min3A_370 = arith.minsi %min3A_369, %max3A_368 : vector<16xi32>
    %mul3A_371 = arith.constant 6 : i32
    %mul3A_372 = vector.broadcast %mul3A_371 : i32 to vector<16xi32>
    %mul3A_373 = arith.muli %add3A_304, %mul3A_372 : vector<16xi32>
    tpu.vector_store_idx %arg6[%mul3A_373], %min3A_317 : memref<384xi32, #tpu.memory_space<vmem>>[vector<16xi32>], vector<16xi32>,
    %add3A_374 = arith.constant 1 : i32
    %add3A_375 = vector.broadcast %add3A_374 : i32 to vector<16xi32>
    %add3A_376 = arith.addi %mul3A_373, %add3A_375 : vector<16xi32>
    %add3A_377 = arith.constant 1024 : i32
    %add3A_378 = vector.broadcast %add3A_377 : i32 to vector<16xi32>
    %add3A_379 = arith.addi %min3A_330, %add3A_378 : vector<16xi32>
    tpu.vector_store_idx %arg6[%add3A_376], %add3A_379 : memref<384xi32, #tpu.memory_space<vmem>>[vector<16xi32>], vector<16xi32>,
    %add3A_380 = arith.constant 2 : i32
    %add3A_381 = vector.broadcast %add3A_380 : i32 to vector<16xi32>
    %add3A_382 = arith.addi %mul3A_373, %add3A_381 : vector<16xi32>
    tpu.vector_store_idx %arg6[%add3A_382], %min3A_343 : memref<384xi32, #tpu.memory_space<vmem>>[vector<16xi32>], vector<16xi32>,
    %add3A_383 = arith.constant 3 : i32
    %add3A_384 = vector.broadcast %add3A_383 : i32 to vector<16xi32>
    %add3A_385 = arith.addi %mul3A_373, %add3A_384 : vector<16xi32>
    %add3A_386 = arith.constant 1024 : i32
    %add3A_387 = vector.broadcast %add3A_386 : i32 to vector<16xi32>
    %add3A_388 = arith.addi %min3A_356, %add3A_387 : vector<16xi32>
    tpu.vector_store_idx %arg6[%add3A_385], %add3A_388 : memref<384xi32, #tpu.memory_space<vmem>>[vector<16xi32>], vector<16xi32>,
    %add3A_389 = arith.constant 4 : i32
    %add3A_390 = vector.broadcast %add3A_389 : i32 to vector<16xi32>
    %add3A_391 = arith.addi %mul3A_373, %add3A_390 : vector<16xi32>
    %add3A_392 = arith.constant 2048 : i32
    %add3A_393 = vector.broadcast %add3A_392 : i32 to vector<16xi32>
    %add3A_394 = arith.addi %min3A_363, %add3A_393 : vector<16xi32>
    tpu.vector_store_idx %arg6[%add3A_391], %add3A_394 : memref<384xi32, #tpu.memory_space<vmem>>[vector<16xi32>], vector<16xi32>,
    %add3A_395 = arith.constant 5 : i32
    %add3A_396 = vector.broadcast %add3A_395 : i32 to vector<16xi32>
    %add3A_397 = arith.addi %mul3A_373, %add3A_396 : vector<16xi32>
    %add3A_398 = arith.constant 3072 : i32
    %add3A_399 = vector.broadcast %add3A_398 : i32 to vector<16xi32>
    %add3A_400 = arith.addi %min3A_370, %add3A_399 : vector<16xi32>
    tpu.vector_store_idx %arg6[%add3A_397], %add3A_400 : memref<384xi32, #tpu.memory_space<vmem>>[vector<16xi32>], vector<16xi32>,
    %dma_wait3A = arith.constant 0 : i32
    %dma_wait3A_401 = tpu.memref_slice %arg8[%mul3A_4, %dma_wait3A] : memref<4096x64xf32, #tpu.memory_space<vmem_shared>> -> memref<256x64xf32, #tpu.memory_space<vmem_shared>>
    %dma_wait3A_402 = arith.constant 0 : i32
    %dma_wait3A_403 = tpu.memref_slice %arg3[%mul3A_2, %dma_wait3A_402] : memref<4096x64xf32, #tpu.memory_space<hbm>> -> memref<256x64xf32, #tpu.memory_space<hbm>>
    tpu.wait_dma2 semaphore(%arg9 : memref<!tpu.dma_semaphore, #tpu.memory_space<semaphore_mem>>) src(%dma_wait3A_403 : memref<256x64xf32, #tpu.memory_space<hbm>>) dst(%dma_wait3A_401 : memref<256x64xf32, #tpu.memory_space<vmem_shared>>)
    %barrier3A = arith.constant 0 : index
    tpu.barrier barrier_id(%barrier3A)
    %dma_start3A_404 = arith.constant 0 : i32
    %dma_start3A_405 = arith.constant 0 : i32
    %dma_start3A_406 = tpu.memref_slice %arg7[%dma_start3A_404, %dma_start3A_405] : memref<384x64xf32, #tpu.memory_space<vmem>> -> memref<128x64xf32, #tpu.memory_space<vmem>>
    %dma_start3A_407 = arith.constant 0 : i32
    %dma_start3A_408 = tpu.memref_slice %arg6[%dma_start3A_407] : memref<384xi32, #tpu.memory_space<vmem>> -> memref<128xi32, #tpu.memory_space<vmem>>
    %dma_start3A_409 = arith.constant 0 : i32
    %dma_start3A_410 = arith.constant 0 : i32
    %dma_start3A_411 = tpu.memref_slice %arg8[%dma_start3A_409, %dma_start3A_410] : memref<4096x64xf32, #tpu.memory_space<vmem_shared>> -> memref<4096x64xf32, #tpu.memory_space<vmem_shared>>
    tpu.enqueue_indirect_dma source(%dma_start3A_411 : memref<4096x64xf32, #tpu.memory_space<vmem_shared>>) target(%dma_start3A_406 : memref<128x64xf32, #tpu.memory_space<vmem>>) offsets(%dma_start3A_408 : memref<128xi32, #tpu.memory_space<vmem>>) semaphore(%arg10 : memref<!tpu.dma_semaphore, #tpu.memory_space<semaphore_mem>>)
    %dma_start3A_412 = arith.constant 128 : i32
    %dma_start3A_413 = arith.constant 0 : i32
    %dma_start3A_414 = tpu.memref_slice %arg7[%dma_start3A_412, %dma_start3A_413] : memref<384x64xf32, #tpu.memory_space<vmem>> -> memref<128x64xf32, #tpu.memory_space<vmem>>
    %dma_start3A_415 = arith.constant 128 : i32
    %dma_start3A_416 = tpu.memref_slice %arg6[%dma_start3A_415] : memref<384xi32, #tpu.memory_space<vmem>> -> memref<128xi32, #tpu.memory_space<vmem>>
    %dma_start3A_417 = arith.constant 0 : i32
    %dma_start3A_418 = arith.constant 0 : i32
    %dma_start3A_419 = tpu.memref_slice %arg8[%dma_start3A_417, %dma_start3A_418] : memref<4096x64xf32, #tpu.memory_space<vmem_shared>> -> memref<4096x64xf32, #tpu.memory_space<vmem_shared>>
    tpu.enqueue_indirect_dma source(%dma_start3A_419 : memref<4096x64xf32, #tpu.memory_space<vmem_shared>>) target(%dma_start3A_414 : memref<128x64xf32, #tpu.memory_space<vmem>>) offsets(%dma_start3A_416 : memref<128xi32, #tpu.memory_space<vmem>>) semaphore(%arg10 : memref<!tpu.dma_semaphore, #tpu.memory_space<semaphore_mem>>)
    %dma_start3A_420 = arith.constant 256 : i32
    %dma_start3A_421 = arith.constant 0 : i32
    %dma_start3A_422 = tpu.memref_slice %arg7[%dma_start3A_420, %dma_start3A_421] : memref<384x64xf32, #tpu.memory_space<vmem>> -> memref<128x64xf32, #tpu.memory_space<vmem>>
    %dma_start3A_423 = arith.constant 256 : i32
    %dma_start3A_424 = tpu.memref_slice %arg6[%dma_start3A_423] : memref<384xi32, #tpu.memory_space<vmem>> -> memref<128xi32, #tpu.memory_space<vmem>>
    %dma_start3A_425 = arith.constant 0 : i32
    %dma_start3A_426 = arith.constant 0 : i32
    %dma_start3A_427 = tpu.memref_slice %arg8[%dma_start3A_425, %dma_start3A_426] : memref<4096x64xf32, #tpu.memory_space<vmem_shared>> -> memref<4096x64xf32, #tpu.memory_space<vmem_shared>>
    tpu.enqueue_indirect_dma source(%dma_start3A_427 : memref<4096x64xf32, #tpu.memory_space<vmem_shared>>) target(%dma_start3A_422 : memref<128x64xf32, #tpu.memory_space<vmem>>) offsets(%dma_start3A_424 : memref<128xi32, #tpu.memory_space<vmem>>) semaphore(%arg10 : memref<!tpu.dma_semaphore, #tpu.memory_space<semaphore_mem>>)
    %dma_wait3A_428 = arith.constant 0 : i32
    %dma_wait3A_429 = arith.constant 0 : i32
    %dma_wait3A_430 = tpu.memref_slice %arg7[%dma_wait3A_428, %dma_wait3A_429] : memref<384x64xf32, #tpu.memory_space<vmem>> -> memref<128x64xf32, #tpu.memory_space<vmem>>
    %dma_wait3A_431 = arith.constant 0 : i32
    %dma_wait3A_432 = tpu.memref_slice %arg6[%dma_wait3A_431] : memref<384xi32, #tpu.memory_space<vmem>> -> memref<128xi32, #tpu.memory_space<vmem>>
    %dma_wait3A_433 = arith.constant 0 : i32
    %dma_wait3A_434 = arith.constant 0 : i32
    %dma_wait3A_435 = tpu.memref_slice %arg8[%dma_wait3A_433, %dma_wait3A_434] : memref<4096x64xf32, #tpu.memory_space<vmem_shared>> -> memref<4096x64xf32, #tpu.memory_space<vmem_shared>>
    tpu.wait_indirect_dma semaphore(%arg10 : memref<!tpu.dma_semaphore, #tpu.memory_space<semaphore_mem>>) src(%dma_wait3A_435 : memref<4096x64xf32, #tpu.memory_space<vmem_shared>>) dst(%dma_wait3A_430 : memref<128x64xf32, #tpu.memory_space<vmem>>)
    %mul3A_436 = arith.constant 384 : i32
    %mul3A_437 = arith.muli %add3A, %mul3A_436 : i32
    %add3A_438 = arith.constant 0 : i32
    %add3A_439 = arith.addi %mul3A_437, %add3A_438 : i32
    %dma_start3A_440 = arith.constant 0 : i32
    %dma_start3A_441 = arith.constant 0 : i32
    %dma_start3A_442 = tpu.memref_slice %arg7[%dma_start3A_440, %dma_start3A_441] : memref<384x64xf32, #tpu.memory_space<vmem>> -> memref<128x64xf32, #tpu.memory_space<vmem>>
    %dma_start3A_443 = arith.constant 0 : i32
    %dma_start3A_444 = tpu.memref_slice %arg4[%add3A_439, %dma_start3A_443] : memref<12288x64xf32, #tpu.memory_space<hbm>> -> memref<128x64xf32, #tpu.memory_space<hbm>>
    %dma_start3A_445 = arith.constant 0 : i32
    %dma_start3A_446 = tpu.memref_slice %arg4[%add3A_439, %dma_start3A_445] : memref<12288x64xf32, #tpu.memory_space<hbm>> -> memref<128x64xf32, #tpu.memory_space<hbm>>
    %dma_start3A_447 = arith.constant 0 : i32
    %dma_start3A_448 = arith.constant 0 : i32
    %dma_start3A_449 = tpu.memref_slice %arg7[%dma_start3A_447, %dma_start3A_448] : memref<384x64xf32, #tpu.memory_space<vmem>> -> memref<128x64xf32, #tpu.memory_space<vmem>>
    tpu.enqueue_dma source(%dma_start3A_449 : memref<128x64xf32, #tpu.memory_space<vmem>>) target(%dma_start3A_446 : memref<128x64xf32, #tpu.memory_space<hbm>>) target_semaphore(%arg11 : memref<!tpu.dma_semaphore, #tpu.memory_space<semaphore_mem>>)
    %dma_wait3A_450 = arith.constant 128 : i32
    %dma_wait3A_451 = arith.constant 0 : i32
    %dma_wait3A_452 = tpu.memref_slice %arg7[%dma_wait3A_450, %dma_wait3A_451] : memref<384x64xf32, #tpu.memory_space<vmem>> -> memref<128x64xf32, #tpu.memory_space<vmem>>
    %dma_wait3A_453 = arith.constant 128 : i32
    %dma_wait3A_454 = tpu.memref_slice %arg6[%dma_wait3A_453] : memref<384xi32, #tpu.memory_space<vmem>> -> memref<128xi32, #tpu.memory_space<vmem>>
    %dma_wait3A_455 = arith.constant 0 : i32
    %dma_wait3A_456 = arith.constant 0 : i32
    %dma_wait3A_457 = tpu.memref_slice %arg8[%dma_wait3A_455, %dma_wait3A_456] : memref<4096x64xf32, #tpu.memory_space<vmem_shared>> -> memref<4096x64xf32, #tpu.memory_space<vmem_shared>>
    tpu.wait_indirect_dma semaphore(%arg10 : memref<!tpu.dma_semaphore, #tpu.memory_space<semaphore_mem>>) src(%dma_wait3A_457 : memref<4096x64xf32, #tpu.memory_space<vmem_shared>>) dst(%dma_wait3A_452 : memref<128x64xf32, #tpu.memory_space<vmem>>)
    %mul3A_458 = arith.constant 384 : i32
    %mul3A_459 = arith.muli %add3A, %mul3A_458 : i32
    %add3A_460 = arith.constant 128 : i32
    %add3A_461 = arith.addi %mul3A_459, %add3A_460 : i32
    %dma_start3A_462 = arith.constant 128 : i32
    %dma_start3A_463 = arith.constant 0 : i32
    %dma_start3A_464 = tpu.memref_slice %arg7[%dma_start3A_462, %dma_start3A_463] : memref<384x64xf32, #tpu.memory_space<vmem>> -> memref<128x64xf32, #tpu.memory_space<vmem>>
    %dma_start3A_465 = arith.constant 0 : i32
    %dma_start3A_466 = tpu.memref_slice %arg4[%add3A_461, %dma_start3A_465] : memref<12288x64xf32, #tpu.memory_space<hbm>> -> memref<128x64xf32, #tpu.memory_space<hbm>>
    %dma_start3A_467 = arith.constant 0 : i32
    %dma_start3A_468 = tpu.memref_slice %arg4[%add3A_461, %dma_start3A_467] : memref<12288x64xf32, #tpu.memory_space<hbm>> -> memref<128x64xf32, #tpu.memory_space<hbm>>
    %dma_start3A_469 = arith.constant 128 : i32
    %dma_start3A_470 = arith.constant 0 : i32
    %dma_start3A_471 = tpu.memref_slice %arg7[%dma_start3A_469, %dma_start3A_470] : memref<384x64xf32, #tpu.memory_space<vmem>> -> memref<128x64xf32, #tpu.memory_space<vmem>>
    tpu.enqueue_dma source(%dma_start3A_471 : memref<128x64xf32, #tpu.memory_space<vmem>>) target(%dma_start3A_468 : memref<128x64xf32, #tpu.memory_space<hbm>>) target_semaphore(%arg11 : memref<!tpu.dma_semaphore, #tpu.memory_space<semaphore_mem>>)
    %dma_wait3A_472 = arith.constant 256 : i32
    %dma_wait3A_473 = arith.constant 0 : i32
    %dma_wait3A_474 = tpu.memref_slice %arg7[%dma_wait3A_472, %dma_wait3A_473] : memref<384x64xf32, #tpu.memory_space<vmem>> -> memref<128x64xf32, #tpu.memory_space<vmem>>
    %dma_wait3A_475 = arith.constant 256 : i32
    %dma_wait3A_476 = tpu.memref_slice %arg6[%dma_wait3A_475] : memref<384xi32, #tpu.memory_space<vmem>> -> memref<128xi32, #tpu.memory_space<vmem>>
    %dma_wait3A_477 = arith.constant 0 : i32
    %dma_wait3A_478 = arith.constant 0 : i32
    %dma_wait3A_479 = tpu.memref_slice %arg8[%dma_wait3A_477, %dma_wait3A_478] : memref<4096x64xf32, #tpu.memory_space<vmem_shared>> -> memref<4096x64xf32, #tpu.memory_space<vmem_shared>>
    tpu.wait_indirect_dma semaphore(%arg10 : memref<!tpu.dma_semaphore, #tpu.memory_space<semaphore_mem>>) src(%dma_wait3A_479 : memref<4096x64xf32, #tpu.memory_space<vmem_shared>>) dst(%dma_wait3A_474 : memref<128x64xf32, #tpu.memory_space<vmem>>)
    %mul3A_480 = arith.constant 384 : i32
    %mul3A_481 = arith.muli %add3A, %mul3A_480 : i32
    %add3A_482 = arith.constant 256 : i32
    %add3A_483 = arith.addi %mul3A_481, %add3A_482 : i32
    %dma_start3A_484 = arith.constant 256 : i32
    %dma_start3A_485 = arith.constant 0 : i32
    %dma_start3A_486 = tpu.memref_slice %arg7[%dma_start3A_484, %dma_start3A_485] : memref<384x64xf32, #tpu.memory_space<vmem>> -> memref<128x64xf32, #tpu.memory_space<vmem>>
    %dma_start3A_487 = arith.constant 0 : i32
    %dma_start3A_488 = tpu.memref_slice %arg4[%add3A_483, %dma_start3A_487] : memref<12288x64xf32, #tpu.memory_space<hbm>> -> memref<128x64xf32, #tpu.memory_space<hbm>>
    %dma_start3A_489 = arith.constant 0 : i32
    %dma_start3A_490 = tpu.memref_slice %arg4[%add3A_483, %dma_start3A_489] : memref<12288x64xf32, #tpu.memory_space<hbm>> -> memref<128x64xf32, #tpu.memory_space<hbm>>
    %dma_start3A_491 = arith.constant 256 : i32
    %dma_start3A_492 = arith.constant 0 : i32
    %dma_start3A_493 = tpu.memref_slice %arg7[%dma_start3A_491, %dma_start3A_492] : memref<384x64xf32, #tpu.memory_space<vmem>> -> memref<128x64xf32, #tpu.memory_space<vmem>>
    tpu.enqueue_dma source(%dma_start3A_493 : memref<128x64xf32, #tpu.memory_space<vmem>>) target(%dma_start3A_490 : memref<128x64xf32, #tpu.memory_space<hbm>>) target_semaphore(%arg11 : memref<!tpu.dma_semaphore, #tpu.memory_space<semaphore_mem>>)
    %dma_wait3A_494 = arith.constant 0 : i32
    %dma_wait3A_495 = arith.constant 0 : i32
    %dma_wait3A_496 = tpu.memref_slice %arg7[%dma_wait3A_494, %dma_wait3A_495] : memref<384x64xf32, #tpu.memory_space<vmem>> -> memref<128x64xf32, #tpu.memory_space<vmem>>
    %dma_wait3A_497 = arith.constant 0 : i32
    %dma_wait3A_498 = tpu.memref_slice %arg4[%add3A_439, %dma_wait3A_497] : memref<12288x64xf32, #tpu.memory_space<hbm>> -> memref<128x64xf32, #tpu.memory_space<hbm>>
    %dma_wait3A_499 = arith.constant 0 : i32
    %dma_wait3A_500 = tpu.memref_slice %arg4[%add3A_439, %dma_wait3A_499] : memref<12288x64xf32, #tpu.memory_space<hbm>> -> memref<128x64xf32, #tpu.memory_space<hbm>>
    %dma_wait3A_501 = arith.constant 0 : i32
    %dma_wait3A_502 = arith.constant 0 : i32
    %dma_wait3A_503 = tpu.memref_slice %arg7[%dma_wait3A_501, %dma_wait3A_502] : memref<384x64xf32, #tpu.memory_space<vmem>> -> memref<128x64xf32, #tpu.memory_space<vmem>>
    tpu.wait_dma2 semaphore(%arg11 : memref<!tpu.dma_semaphore, #tpu.memory_space<semaphore_mem>>) src(%dma_wait3A_503 : memref<128x64xf32, #tpu.memory_space<vmem>>) dst(%dma_wait3A_500 : memref<128x64xf32, #tpu.memory_space<hbm>>)
    %dma_wait3A_504 = arith.constant 128 : i32
    %dma_wait3A_505 = arith.constant 0 : i32
    %dma_wait3A_506 = tpu.memref_slice %arg7[%dma_wait3A_504, %dma_wait3A_505] : memref<384x64xf32, #tpu.memory_space<vmem>> -> memref<128x64xf32, #tpu.memory_space<vmem>>
    %dma_wait3A_507 = arith.constant 0 : i32
    %dma_wait3A_508 = tpu.memref_slice %arg4[%add3A_461, %dma_wait3A_507] : memref<12288x64xf32, #tpu.memory_space<hbm>> -> memref<128x64xf32, #tpu.memory_space<hbm>>
    %dma_wait3A_509 = arith.constant 0 : i32
    %dma_wait3A_510 = tpu.memref_slice %arg4[%add3A_461, %dma_wait3A_509] : memref<12288x64xf32, #tpu.memory_space<hbm>> -> memref<128x64xf32, #tpu.memory_space<hbm>>
    %dma_wait3A_511 = arith.constant 128 : i32
    %dma_wait3A_512 = arith.constant 0 : i32
    %dma_wait3A_513 = tpu.memref_slice %arg7[%dma_wait3A_511, %dma_wait3A_512] : memref<384x64xf32, #tpu.memory_space<vmem>> -> memref<128x64xf32, #tpu.memory_space<vmem>>
    tpu.wait_dma2 semaphore(%arg11 : memref<!tpu.dma_semaphore, #tpu.memory_space<semaphore_mem>>) src(%dma_wait3A_513 : memref<128x64xf32, #tpu.memory_space<vmem>>) dst(%dma_wait3A_510 : memref<128x64xf32, #tpu.memory_space<hbm>>)
    %dma_wait3A_514 = arith.constant 256 : i32
    %dma_wait3A_515 = arith.constant 0 : i32
    %dma_wait3A_516 = tpu.memref_slice %arg7[%dma_wait3A_514, %dma_wait3A_515] : memref<384x64xf32, #tpu.memory_space<vmem>> -> memref<128x64xf32, #tpu.memory_space<vmem>>
    %dma_wait3A_517 = arith.constant 0 : i32
    %dma_wait3A_518 = tpu.memref_slice %arg4[%add3A_483, %dma_wait3A_517] : memref<12288x64xf32, #tpu.memory_space<hbm>> -> memref<128x64xf32, #tpu.memory_space<hbm>>
    %dma_wait3A_519 = arith.constant 0 : i32
    %dma_wait3A_520 = tpu.memref_slice %arg4[%add3A_483, %dma_wait3A_519] : memref<12288x64xf32, #tpu.memory_space<hbm>> -> memref<128x64xf32, #tpu.memory_space<hbm>>
    %dma_wait3A_521 = arith.constant 256 : i32
    %dma_wait3A_522 = arith.constant 0 : i32
    %dma_wait3A_523 = tpu.memref_slice %arg7[%dma_wait3A_521, %dma_wait3A_522] : memref<384x64xf32, #tpu.memory_space<vmem>> -> memref<128x64xf32, #tpu.memory_space<vmem>>
    tpu.wait_dma2 semaphore(%arg11 : memref<!tpu.dma_semaphore, #tpu.memory_space<semaphore_mem>>) src(%dma_wait3A_523 : memref<128x64xf32, #tpu.memory_space<vmem>>) dst(%dma_wait3A_520 : memref<128x64xf32, #tpu.memory_space<hbm>>)
    return
  }
}

module attributes {stable_mosaic.version = 14 : i64} {
  func.func @_proj_body(%arg0: i32, %arg1: memref<512x384xf32, #tpu.memory_space<vmem>>, %arg2: memref<384x3584xbf16, #tpu.memory_space<vmem>>, %arg3: memref<385x3584xbf16, #tpu.memory_space<vmem>>, %arg4: memref<1x3584xf32, #tpu.memory_space<vmem>>, %arg5: memref<1x3584xf32, #tpu.memory_space<vmem>>, %arg6: memref<512x3584xf32, #tpu.memory_space<vmem>>) attributes {dimension_semantics = [#tpu.dimension_semantics<parallel>], iteration_bounds = array<i64: 4>, scalar_prefetch = 0 : i64, scratch_operands = 0 : i64, tpu.core_type = #tpu.core_type<tc>, window_params = [{transform_indices = @transform_0, window_bounds = array<i64: 512, 384>}, {pipeline_mode = #tpu.pipeline_mode<synchronous>, transform_indices = @transform_1, window_bounds = array<i64: 384, 3584>}, {pipeline_mode = #tpu.pipeline_mode<synchronous>, transform_indices = @transform_2, window_bounds = array<i64: 385, 3584>}, {pipeline_mode = #tpu.pipeline_mode<synchronous>, transform_indices = @transform_3, window_bounds = array<i64: 1, 3584>}, {pipeline_mode = #tpu.pipeline_mode<synchronous>, transform_indices = @transform_4, window_bounds = array<i64: 1, 3584>}, {transform_indices = @transform_5, window_bounds = array<i64: 512, 3584>}]} {
    %get3A = arith.constant 0 : index
    %get3A_0 = arith.constant 0 : index
    %get3A_1 = vector.load %arg1[%get3A, %get3A_0] : memref<512x384xf32, #tpu.memory_space<vmem>>, vector<512x384xf32>
    %bitcast_convert_type3A = tpu.bitcast %get3A_1 : vector<512x384xf32> -> vector<512x384xi32>
    %shift_left3A = arith.constant 16 : i32
    %shift_left3A_2 = vector.broadcast %shift_left3A : i32 to vector<512x384xi32>
    %shift_left3A_3 = arith.shli %bitcast_convert_type3A, %shift_left3A_2 : vector<512x384xi32>
    %bitcast_convert_type3A_4 = tpu.bitcast %shift_left3A_3 : vector<512x384xi32> -> vector<512x384xf32>
    %convert_element_type3A = arith.truncf %bitcast_convert_type3A_4 : vector<512x384xf32> to vector<512x384xbf16>
    %and3A = arith.constant -65536 : i32
    %and3A_5 = vector.broadcast %and3A : i32 to vector<512x384xi32>
    %and3A_6 = arith.andi %bitcast_convert_type3A, %and3A_5 : vector<512x384xi32>
    %bitcast_convert_type3A_7 = tpu.bitcast %and3A_6 : vector<512x384xi32> -> vector<512x384xf32>
    %convert_element_type3A_8 = arith.truncf %bitcast_convert_type3A_7 : vector<512x384xf32> to vector<512x384xbf16>
    %broadcast_in_dim3A = arith.constant 1.000000e+00 : bf16
    %broadcast_in_dim3A_9 = vector.broadcast %broadcast_in_dim3A : bf16 to vector<512x1xbf16>
    %concatenate3A = tpu.concatenate %convert_element_type3A_8, %broadcast_in_dim3A_9 in 1 : vector<512x384xbf16>, vector<512x1xbf16> -> vector<512x385xbf16>
    %get3A_10 = arith.constant 0 : index
    %get3A_11 = arith.constant 0 : index
    %get3A_12 = vector.load %arg2[%get3A_10, %get3A_11] : memref<384x3584xbf16, #tpu.memory_space<vmem>>, vector<384x3584xbf16>
    %dot_general3A = arith.constant dense<0.000000e+00> : vector<512x3584xf32>
    %dot_general3A_13 = tpu.matmul %convert_element_type3A, %get3A_12, %dot_general3A {dimension_numbers = #tpu.dot_dimension_numbers<[1], [0], [0], [1], [0, 0, 1, 1], [], []>, transpose_lhs_hint = false} : vector<512x384xbf16>, vector<384x3584xbf16>, vector<512x3584xf32> -> vector<512x3584xf32>
    %get3A_14 = arith.constant 0 : index
    %get3A_15 = arith.constant 0 : index
    %get3A_16 = vector.load %arg3[%get3A_14, %get3A_15] : memref<385x3584xbf16, #tpu.memory_space<vmem>>, vector<385x3584xbf16>
    %dot_general3A_17 = arith.constant dense<0.000000e+00> : vector<512x3584xf32>
    %dot_general3A_18 = tpu.matmul %concatenate3A, %get3A_16, %dot_general3A_17 {dimension_numbers = #tpu.dot_dimension_numbers<[1], [0], [0], [1], [0, 0, 1, 1], [], []>, transpose_lhs_hint = false} : vector<512x385xbf16>, vector<385x3584xbf16>, vector<512x3584xf32> -> vector<512x3584xf32>
    %add3A = arith.addf %dot_general3A_13, %dot_general3A_18 : vector<512x3584xf32>
    %reduce_sum3A = arith.constant dense<0.000000e+00> : vector<512xf32>
    %reduce_sum3A_19 = vector.multi_reduction <add>, %add3A, %reduce_sum3A [1] : vector<512x3584xf32> to vector<512xf32>
    %broadcast_in_dim3A_20 = vector.shape_cast %reduce_sum3A_19 : vector<512xf32> to vector<512x1xf32>
    %div3A = arith.constant 3.584000e+03 : f32
    %div3A_21 = vector.broadcast %div3A : f32 to vector<512x1xf32>
    %div3A_22 = arith.divf %broadcast_in_dim3A_20, %div3A_21 : vector<512x1xf32>
    %mul3A = arith.mulf %add3A, %add3A : vector<512x3584xf32>
    %reduce_sum3A_23 = arith.constant dense<0.000000e+00> : vector<512xf32>
    %reduce_sum3A_24 = vector.multi_reduction <add>, %mul3A, %reduce_sum3A_23 [1] : vector<512x3584xf32> to vector<512xf32>
    %broadcast_in_dim3A_25 = vector.shape_cast %reduce_sum3A_24 : vector<512xf32> to vector<512x1xf32>
    %div3A_26 = arith.constant 3.584000e+03 : f32
    %div3A_27 = vector.broadcast %div3A_26 : f32 to vector<512x1xf32>
    %div3A_28 = arith.divf %broadcast_in_dim3A_25, %div3A_27 : vector<512x1xf32>
    %mul3A_29 = arith.mulf %div3A_22, %div3A_22 : vector<512x1xf32>
    %sub3A = arith.subf %div3A_28, %mul3A_29 : vector<512x1xf32>
    %add3A_30 = arith.constant 9.99999974E-6 : f32
    %add3A_31 = vector.broadcast %add3A_30 : f32 to vector<512x1xf32>
    %add3A_32 = arith.addf %sub3A, %add3A_31 : vector<512x1xf32>
    %rsqrt3A = math.rsqrt %add3A_32 : vector<512x1xf32>
    %sub3A_33 = vector.broadcast %div3A_22 : vector<512x1xf32> to vector<512x3584xf32>
    %sub3A_34 = arith.subf %add3A, %sub3A_33 : vector<512x3584xf32>
    %mul3A_35 = vector.broadcast %rsqrt3A : vector<512x1xf32> to vector<512x3584xf32>
    %mul3A_36 = arith.mulf %sub3A_34, %mul3A_35 : vector<512x3584xf32>
    %get3A_37 = arith.constant 0 : index
    %get3A_38 = arith.constant 0 : index
    %get3A_39 = vector.load %arg4[%get3A_37, %get3A_38] : memref<1x3584xf32, #tpu.memory_space<vmem>>, vector<1x3584xf32>
    %mul3A_40 = vector.broadcast %get3A_39 : vector<1x3584xf32> to vector<512x3584xf32>
    %mul3A_41 = arith.mulf %mul3A_36, %mul3A_40 : vector<512x3584xf32>
    %get3A_42 = arith.constant 0 : index
    %get3A_43 = arith.constant 0 : index
    %get3A_44 = vector.load %arg5[%get3A_42, %get3A_43] : memref<1x3584xf32, #tpu.memory_space<vmem>>, vector<1x3584xf32>
    %add3A_45 = vector.broadcast %get3A_44 : vector<1x3584xf32> to vector<512x3584xf32>
    %add3A_46 = arith.addf %mul3A_41, %add3A_45 : vector<512x3584xf32>
    %mul3A_47 = arith.constant 5.000000e-01 : f32
    %mul3A_48 = vector.broadcast %mul3A_47 : f32 to vector<512x3584xf32>
    %mul3A_49 = arith.mulf %add3A_46, %mul3A_48 : vector<512x3584xf32>
    %mul3A_50 = arith.constant 0.707106769 : f32
    %mul3A_51 = vector.broadcast %mul3A_50 : f32 to vector<512x3584xf32>
    %mul3A_52 = arith.mulf %add3A_46, %mul3A_51 : vector<512x3584xf32>
    %erf3A = math.erf %mul3A_52 : vector<512x3584xf32>
    %add3A_53 = arith.constant 1.000000e+00 : f32
    %add3A_54 = vector.broadcast %add3A_53 : f32 to vector<512x3584xf32>
    %add3A_55 = arith.addf %add3A_54, %erf3A : vector<512x3584xf32>
    %mul3A_56 = arith.mulf %mul3A_49, %add3A_55 : vector<512x3584xf32>
    %swap3A = arith.constant 0 : index
    %swap3A_57 = arith.constant 0 : index
    %swap3A_58 = vector.load %arg6[%swap3A, %swap3A_57] : memref<512x3584xf32, #tpu.memory_space<vmem>>, vector<512x3584xf32>
    tpu.vector_store %arg6[%swap3A, %swap3A_57], %mul3A_56 {strides = array<i32>} : memref<512x3584xf32, #tpu.memory_space<vmem>>, vector<512x3584xf32>,
    return
  }
  func.func @transform_0(%arg0: i32) -> (i32, i32) {
    %c0_i32 = arith.constant 0 : i32
    %c0_i32_0 = arith.constant 0 : i32
    return %arg0, %c0_i32 : i32, i32
  }
  func.func @transform_1(%arg0: i32) -> (i32, i32) {
    %c0_i32 = arith.constant 0 : i32
    %c0_i32_0 = arith.constant 0 : i32
    %c0_i32_1 = arith.constant 0 : i32
    return %c0_i32, %c0_i32_0 : i32, i32
  }
  func.func @transform_2(%arg0: i32) -> (i32, i32) {
    %c0_i32 = arith.constant 0 : i32
    %c0_i32_0 = arith.constant 0 : i32
    %c0_i32_1 = arith.constant 0 : i32
    return %c0_i32, %c0_i32_0 : i32, i32
  }
  func.func @transform_3(%arg0: i32) -> (i32, i32) {
    %c0_i32 = arith.constant 0 : i32
    %c0_i32_0 = arith.constant 0 : i32
    %c0_i32_1 = arith.constant 0 : i32
    return %c0_i32, %c0_i32_0 : i32, i32
  }
  func.func @transform_4(%arg0: i32) -> (i32, i32) {
    %c0_i32 = arith.constant 0 : i32
    %c0_i32_0 = arith.constant 0 : i32
    %c0_i32_1 = arith.constant 0 : i32
    return %c0_i32, %c0_i32_0 : i32, i32
  }
  func.func @transform_5(%arg0: i32) -> (i32, i32) {
    %c0_i32 = arith.constant 0 : i32
    %c0_i32_0 = arith.constant 0 : i32
    return %arg0, %c0_i32 : i32, i32
  }
}

module attributes {stable_mosaic.version = 14 : i64} {
  func.func @_proj_body1(%arg0: i32, %arg1: memref<512x384xf32, #tpu.memory_space<vmem>>, %arg2: memref<384x3584xbf16, #tpu.memory_space<vmem>>, %arg3: memref<385x3584xbf16, #tpu.memory_space<vmem>>, %arg4: memref<1x3584xf32, #tpu.memory_space<vmem>>, %arg5: memref<1x3584xf32, #tpu.memory_space<vmem>>, %arg6: memref<4096x3584xf32, #tpu.memory_space<any>>, %arg7: memref<512x3584xf32, #tpu.memory_space<vmem>>) attributes {dimension_semantics = [#tpu.dimension_semantics<parallel>], iteration_bounds = array<i64: 4>, scalar_prefetch = 0 : i64, scratch_operands = 0 : i64, tpu.core_type = #tpu.core_type<tc>, window_params = [{transform_indices = @transform_0, window_bounds = array<i64: 512, 384>}, {pipeline_mode = #tpu.pipeline_mode<synchronous>, transform_indices = @transform_1, window_bounds = array<i64: 384, 3584>}, {pipeline_mode = #tpu.pipeline_mode<synchronous>, transform_indices = @transform_2, window_bounds = array<i64: 385, 3584>}, {pipeline_mode = #tpu.pipeline_mode<synchronous>, transform_indices = @transform_3, window_bounds = array<i64: 1, 3584>}, {pipeline_mode = #tpu.pipeline_mode<synchronous>, transform_indices = @transform_4, window_bounds = array<i64: 1, 3584>}, {}, {transform_indices = @transform_6, window_bounds = array<i64: 512, 3584>}]} {
    %get3A = arith.constant 0 : index
    %get3A_0 = arith.constant 0 : index
    %get3A_1 = vector.load %arg1[%get3A, %get3A_0] : memref<512x384xf32, #tpu.memory_space<vmem>>, vector<512x384xf32>
    %bitcast_convert_type3A = tpu.bitcast %get3A_1 : vector<512x384xf32> -> vector<512x384xi32>
    %shift_left3A = arith.constant 16 : i32
    %shift_left3A_2 = vector.broadcast %shift_left3A : i32 to vector<512x384xi32>
    %shift_left3A_3 = arith.shli %bitcast_convert_type3A, %shift_left3A_2 : vector<512x384xi32>
    %bitcast_convert_type3A_4 = tpu.bitcast %shift_left3A_3 : vector<512x384xi32> -> vector<512x384xf32>
    %convert_element_type3A = arith.truncf %bitcast_convert_type3A_4 : vector<512x384xf32> to vector<512x384xbf16>
    %and3A = arith.constant -65536 : i32
    %and3A_5 = vector.broadcast %and3A : i32 to vector<512x384xi32>
    %and3A_6 = arith.andi %bitcast_convert_type3A, %and3A_5 : vector<512x384xi32>
    %bitcast_convert_type3A_7 = tpu.bitcast %and3A_6 : vector<512x384xi32> -> vector<512x384xf32>
    %convert_element_type3A_8 = arith.truncf %bitcast_convert_type3A_7 : vector<512x384xf32> to vector<512x384xbf16>
    %broadcast_in_dim3A = arith.constant 1.000000e+00 : bf16
    %broadcast_in_dim3A_9 = vector.broadcast %broadcast_in_dim3A : bf16 to vector<512x1xbf16>
    %concatenate3A = tpu.concatenate %convert_element_type3A_8, %broadcast_in_dim3A_9 in 1 : vector<512x384xbf16>, vector<512x1xbf16> -> vector<512x385xbf16>
    %get3A_10 = arith.constant 0 : index
    %get3A_11 = arith.constant 0 : index
    %get3A_12 = vector.load %arg2[%get3A_10, %get3A_11] : memref<384x3584xbf16, #tpu.memory_space<vmem>>, vector<384x3584xbf16>
    %dot_general3A = arith.constant dense<0.000000e+00> : vector<512x3584xf32>
    %dot_general3A_13 = tpu.matmul %convert_element_type3A, %get3A_12, %dot_general3A {dimension_numbers = #tpu.dot_dimension_numbers<[1], [0], [0], [1], [0, 0, 1, 1], [], []>, transpose_lhs_hint = false} : vector<512x384xbf16>, vector<384x3584xbf16>, vector<512x3584xf32> -> vector<512x3584xf32>
    %get3A_14 = arith.constant 0 : index
    %get3A_15 = arith.constant 0 : index
    %get3A_16 = vector.load %arg3[%get3A_14, %get3A_15] : memref<385x3584xbf16, #tpu.memory_space<vmem>>, vector<385x3584xbf16>
    %dot_general3A_17 = arith.constant dense<0.000000e+00> : vector<512x3584xf32>
    %dot_general3A_18 = tpu.matmul %concatenate3A, %get3A_16, %dot_general3A_17 {dimension_numbers = #tpu.dot_dimension_numbers<[1], [0], [0], [1], [0, 0, 1, 1], [], []>, transpose_lhs_hint = false} : vector<512x385xbf16>, vector<385x3584xbf16>, vector<512x3584xf32> -> vector<512x3584xf32>
    %add3A = arith.addf %dot_general3A_13, %dot_general3A_18 : vector<512x3584xf32>
    %reduce_sum3A = arith.constant dense<0.000000e+00> : vector<512xf32>
    %reduce_sum3A_19 = vector.multi_reduction <add>, %add3A, %reduce_sum3A [1] : vector<512x3584xf32> to vector<512xf32>
    %broadcast_in_dim3A_20 = vector.shape_cast %reduce_sum3A_19 : vector<512xf32> to vector<512x1xf32>
    %div3A = arith.constant 3.584000e+03 : f32
    %div3A_21 = vector.broadcast %div3A : f32 to vector<512x1xf32>
    %div3A_22 = arith.divf %broadcast_in_dim3A_20, %div3A_21 : vector<512x1xf32>
    %mul3A = arith.mulf %add3A, %add3A : vector<512x3584xf32>
    %reduce_sum3A_23 = arith.constant dense<0.000000e+00> : vector<512xf32>
    %reduce_sum3A_24 = vector.multi_reduction <add>, %mul3A, %reduce_sum3A_23 [1] : vector<512x3584xf32> to vector<512xf32>
    %broadcast_in_dim3A_25 = vector.shape_cast %reduce_sum3A_24 : vector<512xf32> to vector<512x1xf32>
    %div3A_26 = arith.constant 3.584000e+03 : f32
    %div3A_27 = vector.broadcast %div3A_26 : f32 to vector<512x1xf32>
    %div3A_28 = arith.divf %broadcast_in_dim3A_25, %div3A_27 : vector<512x1xf32>
    %mul3A_29 = arith.mulf %div3A_22, %div3A_22 : vector<512x1xf32>
    %sub3A = arith.subf %div3A_28, %mul3A_29 : vector<512x1xf32>
    %add3A_30 = arith.constant 9.99999974E-6 : f32
    %add3A_31 = vector.broadcast %add3A_30 : f32 to vector<512x1xf32>
    %add3A_32 = arith.addf %sub3A, %add3A_31 : vector<512x1xf32>
    %rsqrt3A = math.rsqrt %add3A_32 : vector<512x1xf32>
    %sub3A_33 = vector.broadcast %div3A_22 : vector<512x1xf32> to vector<512x3584xf32>
    %sub3A_34 = arith.subf %add3A, %sub3A_33 : vector<512x3584xf32>
    %mul3A_35 = vector.broadcast %rsqrt3A : vector<512x1xf32> to vector<512x3584xf32>
    %mul3A_36 = arith.mulf %sub3A_34, %mul3A_35 : vector<512x3584xf32>
    %get3A_37 = arith.constant 0 : index
    %get3A_38 = arith.constant 0 : index
    %get3A_39 = vector.load %arg4[%get3A_37, %get3A_38] : memref<1x3584xf32, #tpu.memory_space<vmem>>, vector<1x3584xf32>
    %mul3A_40 = vector.broadcast %get3A_39 : vector<1x3584xf32> to vector<512x3584xf32>
    %mul3A_41 = arith.mulf %mul3A_36, %mul3A_40 : vector<512x3584xf32>
    %get3A_42 = arith.constant 0 : index
    %get3A_43 = arith.constant 0 : index
    %get3A_44 = vector.load %arg5[%get3A_42, %get3A_43] : memref<1x3584xf32, #tpu.memory_space<vmem>>, vector<1x3584xf32>
    %add3A_45 = vector.broadcast %get3A_44 : vector<1x3584xf32> to vector<512x3584xf32>
    %add3A_46 = arith.addf %mul3A_41, %add3A_45 : vector<512x3584xf32>
    %mul3A_47 = arith.constant 5.000000e-01 : f32
    %mul3A_48 = vector.broadcast %mul3A_47 : f32 to vector<512x3584xf32>
    %mul3A_49 = arith.mulf %add3A_46, %mul3A_48 : vector<512x3584xf32>
    %mul3A_50 = arith.constant 0.707106769 : f32
    %mul3A_51 = vector.broadcast %mul3A_50 : f32 to vector<512x3584xf32>
    %mul3A_52 = arith.mulf %add3A_46, %mul3A_51 : vector<512x3584xf32>
    %erf3A = math.erf %mul3A_52 : vector<512x3584xf32>
    %add3A_53 = arith.constant 1.000000e+00 : f32
    %add3A_54 = vector.broadcast %add3A_53 : f32 to vector<512x3584xf32>
    %add3A_55 = arith.addf %add3A_54, %erf3A : vector<512x3584xf32>
    %mul3A_56 = arith.mulf %mul3A_49, %add3A_55 : vector<512x3584xf32>
    %swap3A = arith.constant 0 : index
    %swap3A_57 = arith.constant 0 : index
    %swap3A_58 = vector.load %arg7[%swap3A, %swap3A_57] : memref<512x3584xf32, #tpu.memory_space<vmem>>, vector<512x3584xf32>
    tpu.vector_store %arg7[%swap3A, %swap3A_57], %mul3A_56 {strides = array<i32>} : memref<512x3584xf32, #tpu.memory_space<vmem>>, vector<512x3584xf32>,
    return
  }
  func.func @transform_0(%arg0: i32) -> (i32, i32) {
    %c0_i32 = arith.constant 0 : i32
    %c0_i32_0 = arith.constant 0 : i32
    return %arg0, %c0_i32 : i32, i32
  }
  func.func @transform_1(%arg0: i32) -> (i32, i32) {
    %c0_i32 = arith.constant 0 : i32
    %c0_i32_0 = arith.constant 0 : i32
    %c0_i32_1 = arith.constant 0 : i32
    return %c0_i32, %c0_i32_0 : i32, i32
  }
  func.func @transform_2(%arg0: i32) -> (i32, i32) {
    %c0_i32 = arith.constant 0 : i32
    %c0_i32_0 = arith.constant 0 : i32
    %c0_i32_1 = arith.constant 0 : i32
    return %c0_i32, %c0_i32_0 : i32, i32
  }
  func.func @transform_3(%arg0: i32) -> (i32, i32) {
    %c0_i32 = arith.constant 0 : i32
    %c0_i32_0 = arith.constant 0 : i32
    %c0_i32_1 = arith.constant 0 : i32
    return %c0_i32, %c0_i32_0 : i32, i32
  }
  func.func @transform_4(%arg0: i32) -> (i32, i32) {
    %c0_i32 = arith.constant 0 : i32
    %c0_i32_0 = arith.constant 0 : i32
    %c0_i32_1 = arith.constant 0 : i32
    return %c0_i32, %c0_i32_0 : i32, i32
  }
  func.func @transform_6(%arg0: i32) -> (i32, i32) {
    %add3A = arith.constant 4 : i32
    %add3A_0 = arith.addi %arg0, %add3A : i32
    %c0_i32 = arith.constant 0 : i32
    %c0_i32_1 = arith.constant 0 : i32
    return %add3A_0, %c0_i32 : i32, i32
  }
}

</mosaic_0001>

<sc_bundles>
// kernel: kernel.6.cloned.1.call-start
scs
__scs_entry_jumppad:
0x0: {  	(pc) =	sbr.rel $0x88, $3  }
0x1: {  	(tag) =	ssettag $0x0;
	lr =	simm.s32 $0x1  }
0x2: {  	[smem:$0x3F98] =	sst lr;
	_ =	strace $0xD0000000  }
0x3: {  	_ = 	snop  }
0x4: {  	_ = 	snop  }
0x5: {  	_ = 	snop  }
0x6: {  	_ = 	snop  }
0x7: {  	_ = 	snop  }
__scs_overlays_trampoline_lowered:
0x8: {  	[smem:$0x3FA7] =	sst s0  }
0x9: {  	[smem:$0x3FA8] =	sst s1  }
0xa: {  	[smem:$0x3FA9] =	sst s2  }
0xb: {  	[smem:$0x3FAA] =	sst s3  }
0xc: {  	[smem:$0x3FAB] =	sst s4  }
0xd: {  	[smem:$0x3FAC] =	sst s5  }
0xe: {  	[smem:$0x3FAD] =	sst s6  }
0xf: {  	[smem:$0x3FAE] =	sst s7  }
0x10: {  	[smem:$0x3FAF] =	sst s8  }
0x11: {  	[smem:$0x3FB0] =	sst s9;
	s0 =	simm.s32 @!p0 $0x0  }
0x12: {  	s1 =	sld [smem:$0x3F96];
	s0 =	simm.s32 @p0 $0x1  }
0x13: {  	[smem:$0x3FB1] =	sst s0;
	s0 =	simm.s32 @!p1 $0x0  }
0x14: {  	s2 =	sld [smem:$0x3F95];
	s0 =	simm.s32 @p1 $0x1  }
0x15: {  	[smem:$0x3FB2] =	sst s0;
	s0 =	simm.s32 @!p2 $0x0  }
0x16: {  	s3 =	sld [smem:$0x3FDB];
	s0 =	simm.s32 @p2 $0x1  }
0x17: {  	s4 =	simm.s32 $0x1BF5;
	[smem:$0x3FB4] =	sst s0  }
0x18: {  	s0 =	sld [smem:$0x3F97];
	_ =	swait.ge [sflag:s4], $0x0  }
0x19: {  	s7 =	sld [smem:$0x3F98]  }
0x1a: {  	s8 =	sadd.s32 $0xFFFFE003, lr  }
0x1b: {  	s9 =	sadd.s32 $0xFFFFFEF7, lr;
	s5 =	simm.s32 $0xFFFFFFFF;
	p2 =	slt.u32 s8, $0xFFFFF086  }
0x1c: {  	p1 =	slt.u32 s9, $0xF7A;
	s5 =	simm.s32 @!p2 $0x0  }
0x1d: {  	s5 =	simm.s32 @p1 $0x1;
	p0 =	seq.s32 s7, s2  }
0x1e: {  	s7 =	smul.u32 @!p0 $0xF7A, s2;
	p2 =	seq.s32 @!p0 s5, $0x0  }
0x1f: {  	s9 =	smul.u32 $0xF7A, s1;
	s8 =	simm.s32 @!p0 $0x1BF5;
	p2 =	por !p2, p0  }
0x20: {  	[sflag:s8] =	ssyncset.s32 @!p0 $0xFFFFF086;
	s6 =	sadd.s32 @!p0 s3, s7;
	s7 =	simm.s32 @!p0 $0x108  }
0x21: {  	s3 =	sadd.s32 s3, s9;
	s6 =	sadd.s32 @!p0 $0x88, s6;
	s7 =	simm.s32 @p2 $0x1082  }
0x22: {  	[simem:s7], [sflag:s8] =	dma.local @!p0 [hbm:s6], $0xF7A  }
0x23: {  	s9 =	sor.u32 $0xD0000000, s2;
	s6 =	simm.s32 $0x108;
	_ =	swait.ge @!p0 [sflag:s8], $0x0  }
0x24: {  	s3 =	sadd.s32 $0x88, s3;
	s6 =	simm.s32 @!p1 $0x1082;
	[sflag:s4] =	ssyncset.s32 $0xFFFFF086  }
0x25: {  	[simem:s6], [sflag:s4] =	dma.local [hbm:s3], $0xF7A  }
0x26: {  	[smem:$0x3F98] =	sst s1;
	(tag) =	ssettag s2;
	_ =	strace s9  }
0x27: {  	s1 =	sld [smem:$0x3FA8]  }
0x28: {  	s2 =	sld [smem:$0x3FA9]  }
0x29: {  	s4 =	sld [smem:$0x3FAB]  }
0x2a: {  	p0 =	seq.s32 s5, $0x0;
	s5 =	sld [smem:$0x3FAC]  }
0x2b: {  	s6 =	sld [smem:$0x3FAD]  }
0x2c: {  	s7 =	sld [smem:$0x3FAE]  }
0x2d: {  	s3 =	simm.s32 $0x108;
	s8 =	sld [smem:$0x3FAF]  }
0x2e: {  	s3 =	simm.s32 @!p0 $0x1082;
	s9 =	sld [smem:$0x3FB0]  }
0x2f: {  	lr =	sadd.s32 s0, s3;
	s0 =	sld [smem:$0x3FA7]  }
0x30: {  	s3 =	sld [smem:$0x3FAA]  }
0x31: {  	[smem:$0x3FB3] =	sst s10  }
0x32: {  	s10 =	sld [smem:$0x3FB1];
	_ =	sdelay $0x3  }
0x33: {  	p0 =	seq.s32 s10, $0x1;
	s10 =	sld [smem:$0x3FB3];
	_ =	sdelay $0x3  }
0x34: {  	[smem:$0x3FB3] =	sst s10  }
0x35: {  	s10 =	sld [smem:$0x3FB2];
	_ =	sdelay $0x3  }
0x36: {  	p1 =	seq.s32 s10, $0x1;
	s10 =	sld [smem:$0x3FB3];
	_ =	sdelay $0x3  }
0x37: {  	[smem:$0x3FB3] =	sst s10  }
0x38: {  	s10 =	sld [smem:$0x3FB4]  }
0x39: {  	_ = 	snop;
	(pc) =	sbr.ind lr, $3  }
0x3a: {  	_ = 	snop  }
0x3b: {  	_ = 	snop  }
0x3c: {  	p2 =	seq.s32 s10, $0x1;
	s10 =	sld [smem:$0x3FB3]  }
0x3d: {  	_ =	shalt  }
0x3e: {  	_ =	shalt  }
0x3f: {  	_ =	shalt  }
0x40: {  	_ =	shalt  }
0x41: {  	_ =	shalt  }
0x42: {  	_ =	shalt  }
0x43: {  	_ =	shalt  }
0x44: {  	_ =	shalt  }
0x45: {  	_ =	shalt  }
0x46: {  	_ =	shalt  }
0x47: {  	_ =	shalt  }
0x48: {  	_ =	shalt  }
0x49: {  	_ =	shalt  }
0x4a: {  	_ =	shalt  }
0x4b: {  	_ =	shalt  }
0x4c: {  	_ =	shalt  }
0x4d: {  	_ =	shalt  }
0x4e: {  	_ =	shalt  }
0x4f: {  	_ =	shalt  }
0x50: {  	_ =	shalt  }
0x51: {  	_ =	shalt  }
0x52: {  	_ =	shalt  }
0x53: {  	_ =	shalt  }
0x54: {  	_ =	shalt  }
0x55: {  	_ =	shalt  }
0x56: {  	_ =	shalt  }
0x57: {  	_ =	shalt  }
0x58: {  	_ =	shalt  }
0x59: {  	_ =	shalt  }
0x5a: {  	_ =	shalt  }
0x5b: {  	_ =	shalt  }
0x5c: {  	_ =	shalt  }
0x5d: {  	_ =	shalt  }
0x5e: {  	_ =	shalt  }
0x5f: {  	_ =	shalt  }
0x60: {  	_ =	shalt  }
0x61: {  	_ =	shalt  }
0x62: {  	_ =	shalt  }
0x63: {  	_ =	shalt  }
0x64: {  	_ =	shalt  }
0x65: {  	_ =	shalt  }
0x66: {  	_ =	shalt  }
0x67: {  	_ =	shalt  }
0x68: {  	_ =	shalt  }
0x69: {  	_ =	shalt  }
0x6a: {  	_ =	shalt  }
0x6b: {  	_ =	shalt  }
0x6c: {  	_ =	shalt  }
0x6d: {  	_ =	shalt  }
0x6e: {  	_ =	shalt  }
0x6f: {  	_ =	shalt  }
0x70: {  	_ =	shalt  }
0x71: {  	_ =	shalt  }
0x72: {  	_ =	shalt  }
0x73: {  	_ =	shalt  }
0x74: {  	_ =	shalt  }
0x75: {  	_ =	shalt  }
0x76: {  	_ =	shalt  }
0x77: {  	_ =	shalt  }
0x78: {  	_ =	shalt  }
0x79: {  	_ =	shalt  }
0x7a: {  	_ =	shalt  }
0x7b: {  	_ =	shalt  }
0x7c: {  	_ =	shalt  }
0x7d: {  	_ =	shalt  }
0x7e: {  	_ =	shalt  }
0x7f: {  	_ =	shalt  }
0x80: {  	_ =	shalt  }
0x81: {  	_ =	shalt  }
0x82: {  	_ =	shalt  }
0x83: {  	_ =	shalt  }
0x84: {  	_ =	shalt  }
0x85: {  	_ =	shalt  }
0x86: {  	_ =	shalt  }
0x87: {  	_ =	shalt  }
.Lfunc_end0:
.L_simem_size_0:
called_computation_lowered:
.L_overlay_start_0:
0x88: {  	s2 =	sld [smem:$0x3FD9]  }
0x89: {  	s3 =	sld [smem:$0x3FFE];
	_ =	sdelay $0x1  }
0x8a: {  	s1 =	srdreg.scid  }
0x8b: {  	s0 =	sand.u32 $0x1, s1  }
0x8c: {  	s16 =	sshll.u32 s0, $0xA;
	s2 =	sadd.s32 s3, s2  }
0x8d: {  	s2 =	sadd.s32 s2, s16  }
0x8e: {  	[smem:$0x3FBF] =	sst s2  }
0x8f: {  	_ = 	snop  }
0x90: {  	(tm) =	ssettm $0x1  }
0x91: {  	s17 =	sld [smem:$0x3FFB];
	_ =	sdelay $0x3  }
0x92: {  	_ =	strace s17  }
0x93: {  	s2 =	sld [smem:$0x3FFC];
	_ =	sdelay $0x3  }
0x94: {  	_ =	strace s2  }
0x95: {  	s2 =	sld [smem:$0x3FFD];
	_ =	sdelay $0x3  }
0x96: {  	_ =	strace s2  }
0x97: {  	_ =	strace $0x8FFFFFFF  }
0x98: {  	s18 =	sld [smem:$0x3FDB];
	_ =	sdelay $0x1  }
0x99: {  	s19 =	simm.s32 $_scs_section_size  }
0x9a: {  	s4 =	simm.s32 $_size__tile_overlayer_lowered;
	s5 =	simm.s32 $_tile_overlayer_lowered  }
0x9b: {  	s22 =	simm.s32 $0x1BFF;
	s21 =	sshll.u32 s5, $0x1;
	s2 =	sadd.s32 s19, s18  }
0x9c: {  	s6 =	simm.s32 $0x0;
	s20 =	sshll.u32 s4, $0x1;
	s4 =	sadd.s32 s21, s2  }
0x9d: {  	[timem:s6], [sflag:s22] =	dma.local [hbm:s4], s20  }
0x9e: {  	_ =	swait.ge [sflag:s22], s20  }
0x9f: {  	s3 =	ssub.s32 $0x0, s20;
	[sflag:s22] =	ssyncset.done $0x0  }
0xa0: {  	[sflag:s22] =	ssyncadd.s32 s3;
	_ =	sdelay $0x1  }
0xa1: {  	s23 =	simm.s32 $0x1B8B  }
0xa2: {  	_ =	swait.ge [sflag:s23], $0x1  }
0xa3: {  	[sflag:s23] =	ssyncset.done $0x0  }
0xa4: {  	s25 =	simm.s32 $0x1B8E;
	s24 =	sld [smem:$0x3FFE];
	[sflag:s23] =	ssyncadd.s32 $0xFFFFFFFF  }
0xa5: {  	s26 =	simm.s32 $execute0_lowered;
	[smem:$0x3FD2] =	sst s25  }
0xa6: {  	s4 =	sshll.u32 s26, $0x1;
	_ =	strace $0x80000046;
	[dreg:$0x1] =	wrdreg $0xFFFFFFFF  }
0xa7: {  	s28 =	simm.s32 $_size_execute0_lowered;
	s2 =	sadd.s32 s2, s4;
	[dreg:$0x0] =	wrdreg $0x0  }
0xa8: {  	s4 =	sshll.u32 s28, $0x1;
	[dreg:$0x2] =	wrdreg s2  }
0xa9: {  	[dreg:$0x3] =	wrdreg s4  }
0xaa: {  	[dreg:$0x4] =	wrdreg $0xC0  }
0xab: {  	_ =	task [dreg:s6], $0x5FFFF  }
0xac: {  	[dreg:$0x1] =	wrdreg $0xFFFFFFFF  }
0xad: {  	[dreg:$0x0] =	wrdreg $0x60  }
0xae: {  	[dreg:$0x2] =	wrdreg s24  }
0xaf: {  	[dreg:$0x3] =	wrdreg $0x63800  }
0xb0: {  	[dreg:$0x4] =	wrdreg $0x9  }
0xb1: {  	_ =	task.clear_ibuf [dreg:s6], $0x5FFFF;
	_ =	strace $0x90000046  }
0xb2: {  	s29 =	simm.s32 $0x9;
	_ =	strace $0x80000048  }
0xb3: {  	_ =	swait.ge [sflag:s29], $0x1  }
0xb4: {  	[sflag:s29] =	ssyncadd.s32 $0xFFFFFFFF  }
0xb5: {  	_ =	strace $0x90000048  }
0xb6: {  	_ =	sfence  }
0xb7: {  	s30 =	sld [smem:$0x0];
	_ =	sdelay $0x2  }
0xb8: {  	s31 =	sshll.u32 s1, $0xD;
	s1 =	sshrl.u32 s1, $0x2  }
0xb9: {  	s3 =	sand.u32 $0x4000, s31;
	s1 =	sadd.s32 s1, s30  }
0xba: {  	s0 =	sor.u32 s3, s0;
	s1 =	sshll.u32 s1, $0x11  }
0xbb: {  	s0 =	sor.u32 s1, s0  }
0xbc: {  	s0 =	sadd.s32 $0x8F2B, s0  }
0xbd: {  	[sflag:s0] =	ssyncadd.remote.s32 $0x1  }
0xbe: {  	_ =	sfence.sel $0xFFFF  }
0xbf: {  	[dreg:$0x0] =	wrdreg $0xFFFFFFFF;
	(pc) =	sbr.abs _section_cstart, $3  }
0xc0: {  	[dreg:$0x1] =	wrdreg $0xFFFFFFFF  }
0xc1: {  	_ =	task.clear_ibuf [dreg:s6], $0x2FFFF;
	_ =	strace $0x9FFFFFFF  }
0xc2: {  	(tm) =	ssettm $0x7FFFFFFF  }
0xc3: {  	_ =	shalt  }
tec
execute0_lowered:
.L_overlay_start_1:
0x0: {  	(tag) =	ssettag $0x1  }
0x1: {  	s10 =	rddreg [dreg:$0x0];
	s1 =	srdreg.scid  }
0x2: {  	s0 =	stileid.u32;
	s3 =	rddreg [dreg:$0x1]  }
0x3: {  	s2 =	simm.s32 $0x0;
	s12 =	sand.u32 $0x1, s1;
	s1 =	rddreg [dreg:$0x2]  }
0x4: {  	s4 =	sshll.u32 s0, $0x1;
	[smem:$0x7FF] =	sst s2  }
0x5: {  	s5 =	sshll.u32 s0, $0xB;
	s6 =	sshll.u32 s0, $0xE;
	s7 =	sshll.u32 s0, $0x6  }
0x6: {  	s11 =	sor.u32 s12, s4;
	_ =	strace $0x80000047;
	s5 =	sadd.s32 s5, s10  }
0x7: {  	v4 =	vlaneseq.u32;
	s8 =	sadd.s32 s6, s3;
	s6 =	sor.u32 $0x1C01, s7;
	s4 =	sshll.u32 s11, $0x6  }
0x8: {  	v0 =	vmul.u32 $0x8, v4;
	s5 =	sadd.s32 $0x2000, s5;
	s8 =	sshrl.u32 s8, $0x3;
	s4 =	sadd.s32 s4, s10  }
0x9: {  	[spmem:s8], [sflag:s6] =	dma.local [hbm:s5], $0x800  }
0xa: {  	s9 =	simm.s32 $0x4;
	v1 =	vor.u32 $0x2, v0;
	s7 =	sadd.s32 $0xA000, s4  }
0xb: {  	v2 =	vor.u32 $0x1, v0;
	[tilespmem:s2], [sflag:$0x4] =	stream.linear.gather [hbm4b:s7+s2], $0x200, $0x38;
	[tilespmem:$0xA380] =	vst v63  }
0xc: {  	_ =	swait.ge [sflag:s9], $0x200  }
0xd: {  	[sflag:s9] =	ssyncset.done $0x0  }
0xe: {  	v3 =	vor.u32 $0x3, v0;
	[sflag:s9] =	ssyncadd.s32 $0xFFFFFE00  }
0xf: {  	v5 =	vld.idx.msk [tilespmem:v1+s2+$0x0], $0xffff  }
0x10: {  	v8 =	vld.idx.msk [tilespmem:v2+s2+$0x0], $0xffff  }
0x11: {  	v7 =	vld.idx.msk [tilespmem:v0+s2+$0x0], $0xffff;
	_ =	sdelay $0x1  }
0x12: {  	v9 =	vld.idx.msk [tilespmem:v3+s2+$0x0], $0xffff  }
0x13: {  	v4 =	vmul.u32 $0x6, v4;
	v10 =	vmul.f32 $1.023000000e+03, v5  }
0x14: {  	v12 =	vmul.f32 $1.023000000e+03, v8  }
0x15: {  	v6 =	vadd.s32 $0x2, v4;
	v11 =	vmul.f32 $1.023000000e+03, v7;
	v10 =	vtrunc.f32 v10  }
0x16: {  	v5 =	vor.u32 $0x1, v4;
	v12 =	vtrunc.f32 v12;
	v13 =	vcvt.f32.s32 v10  }
0x17: {  	v7 =	vadd.s32 $0x3, v4;
	v10 =	vtrunc.f32 v11;
	v11 =	vmul.f32 $1.023000000e+03, v9  }
0x18: {  	v8 =	vadd.s32 $0x4, v4;
	v9 =	vadd.s32 $0x5, v4;
	v12 =	vcvt.f32.s32 v12  }
0x19: {  	v14 =	vcvt.f32.s32 v10;
	v10 =	vor.u32 $0x80, v0;
	v11 =	vtrunc.f32 v11  }
0x1a: {  	vm0 =	vgt.s32 v13, $0x0;
	vm12 =	vgt.s32 v12, $0x0;
	v11 =	vcvt.f32.s32 v11  }
0x1b: {  	vm1 =	vgt.s32 v14, $0x0;
	v13 =	vnsel vm0, $0x0, v13;
	v12 =	vnsel vm12, $0x0, v12  }
0x1c: {  	v14 =	vnsel vm1, $0x0, v14;
	v13 =	vmin.u32 v13, $0x3FF;
	vm13 =	vgt.s32 v11, $0x0  }
0x1d: {  	s4 =	simm.s32 $0x200;
	v12 =	vmin.u32 v12, $0x3FF;
	v14 =	vmin.u32 v14, $0x3FF;
	v11 =	vnsel vm13, $0x0, v11  }
0x1e: {  	v16 =	vor.u32 $0x400, v12;
	v15 =	vsub.s32 v13, v14;
	[tilespmem:v4+s4+$0x0] =	vst.idx.msk $0xffff, v14;
	v14 =	vmin.u32 v11, $0x3FF  }
0x1f: {  	v11 =	vor.u32 $0x82, v0;
	vm14 =	vgt.s32 v15, $0x0;
	[tilespmem:v5+s4+$0x0] =	vst.idx.msk $0xffff, v16;
	v17 =	vsub.s32 v14, v12  }
0x20: {  	v15 =	vnsel vm14, $0x0, v15;
	[tilespmem:v6+s4+$0x0] =	vst.idx.msk $0xffff, v13;
	v13 =	vor.u32 $0x400, v14;
	vm15 =	vgt.s32 v17, $0x0  }
0x21: {  	v12 =	vor.u32 $0x83, v0;
	[tilespmem:v7+s4+$0x0] =	vst.idx.msk $0xffff, v13;
	v15 =	vor.u32 $0x800, v15;
	v14 =	vnsel vm15, $0x0, v17  }
0x22: {  	v13 =	vor.u32 $0x81, v0;
	[tilespmem:v8+s4+$0x0] =	vst.idx.msk $0xffff, v15;
	v14 =	vor.u32 $0xC00, v14  }
0x23: {  	[tilespmem:v9+s4+$0x0] =	vst.idx.msk $0xffff, v14  }
0x24: {  	v14 =	vld.idx.msk [tilespmem:v10+s2+$0x0], $0xffff  }
0x25: {  	v17 =	vld.idx.msk [tilespmem:v11+s2+$0x0], $0xffff  }
0x26: {  	v18 =	vld.idx.msk [tilespmem:v12+s2+$0x0], $0xffff  }
0x27: {  	v19 =	vld.idx.msk [tilespmem:v13+s2+$0x0], $0xffff;
	_ =	sdelay $0x3  }
0x28: {  	v16 =	vadd.s32 $0x62, v4;
	v20 =	vmul.f32 $1.023000000e+03, v14;
	v22 =	vmul.f32 $1.023000000e+03, v18  }
0x29: {  	v15 =	vadd.s32 $0x61, v4;
	v21 =	vmul.f32 $1.023000000e+03, v17;
	v23 =	vmul.f32 $1.023000000e+03, v19  }
0x2a: {  	v14 =	vadd.s32 $0x60, v4;
	v20 =	vtrunc.f32 v20;
	v22 =	vtrunc.f32 v22  }
0x2b: {  	v17 =	vadd.s32 $0x63, v4;
	v24 =	vcvt.f32.s32 v20;
	v20 =	vtrunc.f32 v21  }
0x2c: {  	v18 =	vadd.s32 $0x64, v4;
	v21 =	vtrunc.f32 v23;
	v22 =	vcvt.f32.s32 v22  }
0x2d: {  	v19 =	vadd.s32 $0x65, v4;
	v23 =	vcvt.f32.s32 v20;
	v21 =	vcvt.f32.s32 v21  }
0x2e: {  	v20 =	vor.u32 $0x102, v0;
	vm4 =	vgt.s32 v24, $0x0;
	vm7 =	vgt.s32 v22, $0x0  }
0x2f: {  	vm5 =	vgt.s32 v23, $0x0;
	v24 =	vnsel vm4, $0x0, v24;
	vm6 =	vgt.s32 v21, $0x0  }
0x30: {  	v22 =	vnsel vm7, $0x0, v22;
	v23 =	vnsel vm5, $0x0, v23;
	v21 =	vnsel vm6, $0x0, v21  }
0x31: {  	v24 =	vmin.u32 v24, $0x3FF;
	v25 =	vmin.u32 v21, $0x3FF;
	v23 =	vmin.u32 v23, $0x3FF  }
0x32: {  	v22 =	vmin.u32 v22, $0x3FF;
	[tilespmem:v14+s4+$0x0] =	vst.idx.msk $0xffff, v24;
	v26 =	vsub.s32 v23, v24;
	v24 =	vor.u32 $0x400, v25  }
0x33: {  	v21 =	vor.u32 $0x103, v0;
	v25 =	vsub.s32 v22, v25;
	vm8 =	vgt.s32 v26, $0x0;
	[tilespmem:v15+s4+$0x0] =	vst.idx.msk $0xffff, v24  }
0x34: {  	vm9 =	vgt.s32 v25, $0x0;
	v24 =	vnsel vm8, $0x0, v26;
	[tilespmem:v16+s4+$0x0] =	vst.idx.msk $0xffff, v23;
	v23 =	vor.u32 $0x400, v22  }
0x35: {  	v22 =	vor.u32 $0x101, v0;
	v25 =	vnsel vm9, $0x0, v25;
	[tilespmem:v17+s4+$0x0] =	vst.idx.msk $0xffff, v23;
	v24 =	vor.u32 $0x800, v24  }
0x36: {  	v23 =	vor.u32 $0x100, v0;
	[tilespmem:v18+s4+$0x0] =	vst.idx.msk $0xffff, v24;
	v24 =	vor.u32 $0xC00, v25  }
0x37: {  	[tilespmem:v19+s4+$0x0] =	vst.idx.msk $0xffff, v24  }
0x38: {  	v24 =	vld.idx.msk [tilespmem:v20+s2+$0x0], $0xffff  }
0x39: {  	v25 =	vld.idx.msk [tilespmem:v21+s2+$0x0], $0xffff  }
0x3a: {  	v33 =	vld.idx.msk [tilespmem:v22+s2+$0x0], $0xffff  }
0x3b: {  	v34 =	vld.idx.msk [tilespmem:v23+s2+$0x0], $0xffff  }
0x3c: {  	v27 =	vadd.s32 $0xC1, v4;
	v28 =	vadd.s32 $0xC2, v4  }
0x3d: {  	v29 =	vadd.s32 $0xC3, v4;
	v32 =	vadd.s32 $0xC4, v4;
	v24 =	vmul.f32 $1.023000000e+03, v24  }
0x3e: {  	v30 =	vadd.s32 $0xC5, v4;
	v31 =	vor.u32 $0x180, v0;
	v25 =	vmul.f32 $1.023000000e+03, v25  }
0x3f: {  	v36 =	vor.u32 $0x183, v0;
	v35 =	vmul.f32 $1.023000000e+03, v33;
	v24 =	vtrunc.f32 v24  }
0x40: {  	v26 =	vadd.s32 $0xC0, v4;
	v37 =	vcvt.f32.s32 v24;
	v24 =	vmul.f32 $1.023000000e+03, v34  }
0x41: {  	v33 =	vor.u32 $0x181, v0;
	v25 =	vtrunc.f32 v25;
	v35 =	vtrunc.f32 v35  }
0x42: {  	v34 =	vor.u32 $0x182, v0;
	v25 =	vcvt.f32.s32 v25;
	v24 =	vtrunc.f32 v24  }
0x43: {  	s12 =	ssub.s32 $0x2, s12;
	v35 =	vcvt.f32.s32 v35;
	vm10 =	vgt.s32 v37, $0x0;
	v38 =	vcvt.f32.s32 v24  }
0x44: {  	s14 =	sshrl.u32 s12, $0x1;
	vm11 =	vgt.s32 v25, $0x0;
	v24 =	vadd.s32 $0x120, v4;
	v37 =	vnsel vm10, $0x0, v37  }
0x45: {  	s14 =	ssub.s32 s12, s14;
	vm12 =	vgt.s32 v35, $0x0;
	v39 =	vnsel vm11, $0x0, v25;
	vm13 =	vgt.s32 v38, $0x0  }
0x46: {  	s18 =	simm.s32 $0x1;
	s13 =	smul.u32 $0x6000, s11;
	s22 =	smax.u32 s14, $0x1;
	v35 =	vnsel vm12, $0x0, v35;
	v37 =	vmin.u32 v37, $0x3FF;
	v38 =	vnsel vm13, $0x0, v38  }
0x47: {  	s15 =	simm.s32 $0x380;
	s11 =	smul.u32 $0xC00, s11;
	p0 =	sne.s32 s22, $0x1;
	v61 =	vmin.u32 v39, $0x3FF;
	v40 =	vmin.u32 v35, $0x3FF;
	v60 =	vmin.u32 v38, $0x3FF  }
.Ltmp0:
0x48: {  	s19 =	simm.s32 $0x280;
	s21 =	simm.s32 $0x300;
	v41 =	vor.u32 $0x400, v40;
	v40 =	vsub.s32 v61, v40;
	v62 =	vsub.s32 v37, v60;
	[tilespmem:v26+s4+$0x0] =	vst.idx.msk $0xffff, v60;
	(pc) =	sbr.rel @!p0 .LBB2_2-.Ltmp0, $4  }
0x49: {  	s17 =	simm.s32 $0x4380;
	s20 =	simm.s32 $0x2;
	s10 =	sadd.s32 $0xB000, s10;
	v25 =	vadd.s32 $0x121, v4;
	vm15 =	vgt.s32 v40, $0x0;
	vm14 =	vgt.s32 v62, $0x0;
	[tilespmem:v27+s4+$0x0] =	vst.idx.msk $0xffff, v41  }
0x4a: {  	s16 =	simm.s32 $0x3;
	s13 =	sshrl.u32 s13, $0x3;
	s12 =	sadd.s32 s10, s11;
	v38 =	vor.u32 $0x400, v61;
	v40 =	vnsel vm15, $0x0, v40;
	v39 =	vnsel vm14, $0x0, v62;
	[tilespmem:v28+s4+$0x0] =	vst.idx.msk $0xffff, v37  }
0x4b: {  	s14 =	simm.s32 $0x80;
	s13 =	sadd.s32 s10, s13;
	s22 =	sadd.s32 $0xFFFFFFFF, s22;
	v35 =	vadd.s32 $0x122, v4;
	v40 =	vor.u32 $0xC00, v40;
	[tilespmem:v29+s4+$0x0] =	vst.idx.msk $0xffff, v38;
	v63 =	vor.u32 $0x800, v39  }
0x4c: {  	s11 =	sadd.s32 $0x400, s13;
	s10 =	sadd.s32 $0x800, s13;
	s13 =	simm.s32 $0x2380;
	v37 =	vadd.s32 $0x123, v4;
	v38 =	vadd.s32 $0x124, v4;
	v39 =	vadd.s32 $0x125, v4;
	[tilespmem:v32+s4+$0x0] =	vst.idx.msk $0xffff, v63  }
.LBB2_1:
0x4d: {  	p0 =	sne.s32 s22, $0x1;
	s22 =	sadd.s32 $0xFFFFFFFF, s22;
	[tilespmem:v30+s4+$0x0] =	vst.idx.msk $0xffff, v40  }
0x4e: {  	v40 =	vld.idx.msk [tilespmem:v36+s2+$0x0], $0xffff  }
0x4f: {  	v41 =	vld.idx.msk [tilespmem:v31+s2+$0x0], $0xffff  }
0x50: {  	v42 =	vld.idx.msk [tilespmem:v34+s2+$0x0], $0xffff  }
0x51: {  	v43 =	vld.idx.msk [tilespmem:v33+s2+$0x0], $0xffff;
	_ =	sdelay $0x2  }
0x52: {  	v40 =	vmul.f32 $1.023000000e+03, v40  }
0x53: {  	v41 =	vmul.f32 $1.023000000e+03, v41  }
0x54: {  	v42 =	vmul.f32 $1.023000000e+03, v42;
	v40 =	vtrunc.f32 v40  }
0x55: {  	v41 =	vtrunc.f32 v41;
	v43 =	vmul.f32 $1.023000000e+03, v43  }
0x56: {  	v41 =	vcvt.f32.s32 v41;
	v42 =	vtrunc.f32 v42  }
0x57: {  	v43 =	vtrunc.f32 v43;
	v42 =	vcvt.f32.s32 v42  }
0x58: {  	v40 =	vcvt.f32.s32 v40;
	vm0 =	vgt.s32 v41, $0x0;
	v43 =	vcvt.f32.s32 v43  }
0x59: {  	v41 =	vnsel vm0, $0x0, v41;
	vm0 =	vgt.s32 v42, $0x0  }
0x5a: {  	vm1 =	vgt.s32 v43, $0x0;
	v42 =	vnsel vm0, $0x0, v42;
	vm0 =	vgt.s32 v40, $0x0  }
0x5b: {  	v41 =	vmin.u32 v41, $0x3FF;
	v43 =	vnsel vm1, $0x0, v43;
	v40 =	vnsel vm0, $0x0, v40  }
0x5c: {  	v42 =	vmin.u32 v42, $0x3FF;
	v43 =	vmin.u32 v43, $0x3FF;
	v40 =	vmin.u32 v40, $0x3FF  }
0x5d: {  	v44 =	vsub.s32 v42, v41;
	v45 =	vsub.s32 v40, v43;
	[tilespmem:v24+s4+$0x0] =	vst.idx.msk $0xffff, v41;
	v41 =	vor.u32 $0x400, v43  }
0x5e: {  	vm0 =	vgt.s32 v44, $0x0;
	vm1 =	vgt.s32 v45, $0x0;
	[tilespmem:v25+s4+$0x0] =	vst.idx.msk $0xffff, v41  }
0x5f: {  	v40 =	vor.u32 $0x400, v40;
	v41 =	vnsel vm0, $0x0, v44;
	v43 =	vnsel vm1, $0x0, v45;
	[tilespmem:v35+s4+$0x0] =	vst.idx.msk $0xffff, v42  }
0x60: {  	[tilespmem:v37+s4+$0x0] =	vst.idx.msk $0xffff, v40;
	v40 =	vor.u32 $0x800, v41;
	v41 =	vor.u32 $0xC00, v43  }
0x61: {  	[tilespmem:v38+s4+$0x0] =	vst.idx.msk $0xffff, v40  }
0x62: {  	[tilespmem:v39+s4+$0x0] =	vst.idx.msk $0xffff, v41  }
0x63: {  	_ =	swait.ge [sflag:s18], $0x800  }
0x64: {  	[sflag:s18] =	ssyncset.done $0x0  }
0x65: {  	[sflag:s18] =	ssyncadd.s32 $0xFFFFF800  }
0x66: {  	[bflag:$0x0] =	sbarrier.arrive $0xFFFF  }
0x67: {  	[tilespmem:s15], [sflag:$0x2] =	stream.indirect.gather [spmem:s3], $0x40, s4, s14, $0xb8;
	[tilespmem:$0xA380] =	vst v63  }
0x68: {  	_ = 	snop  }
0x69: {  	[tilespmem:s13], [sflag:$0x2] =	stream.indirect.gather [spmem:s3], $0x40, s19, s14, $0xb8;
	[tilespmem:$0xA380] =	vst v63  }
0x6a: {  	_ = 	snop  }
0x6b: {  	[tilespmem:s17], [sflag:$0x2] =	stream.indirect.gather [spmem:s3], $0x40, s21, s14, $0xb8;
	[tilespmem:$0xA380] =	vst v63  }
0x6c: {  	_ =	swait.ge [sflag:s20], $0x2000  }
0x6d: {  	[sflag:s20] =	ssyncset.done $0x0  }
0x6e: {  	[sflag:s20] =	ssyncadd.s32 $0xFFFFE000  }
0x6f: {  	[hbm4b:s12+s2] =	stream.linear.scatter [tilespmem:s15], [sflag:$0x3], $0x2000, $0x38;
	[tilespmem:$0xA380] =	vst v63  }
0x70: {  	_ =	swait.ge [sflag:s20], $0x2000  }
0x71: {  	[sflag:s20] =	ssyncset.done $0x0  }
0x72: {  	[sflag:s20] =	ssyncadd.s32 $0xFFFFE000  }
0x73: {  	[hbm4b:s11+s2] =	stream.linear.scatter [tilespmem:s13], [sflag:$0x3], $0x2000, $0x38;
	[tilespmem:$0xA380] =	vst v63  }
0x74: {  	_ =	swait.ge [sflag:s20], $0x2000  }
0x75: {  	[sflag:s20] =	ssyncset.done $0x0  }
0x76: {  	[sflag:s20] =	ssyncadd.s32 $0xFFFFE000  }
0x77: {  	[hbm4b:s10+s2] =	stream.linear.scatter [tilespmem:s17], [sflag:$0x3], $0x2000, $0x38;
	[tilespmem:$0xA380] =	vst v63  }
0x78: {  	_ =	swait.ge [sflag:s16], $0x2000  }
0x79: {  	[sflag:s16] =	ssyncset.done $0x0  }
0x7a: {  	[sflag:s16] =	ssyncadd.s32 $0xFFFFE000  }
0x7b: {  	_ =	swait.ge [sflag:s16], $0x2000  }
0x7c: {  	[sflag:s16] =	ssyncset.done $0x0  }
0x7d: {  	[sflag:s16] =	ssyncadd.s32 $0xFFFFE000  }
0x7e: {  	_ =	swait.ge [sflag:s16], $0x2000  }
0x7f: {  	[sflag:s16] =	ssyncset.done $0x0  }
0x80: {  	[sflag:s16] =	ssyncadd.s32 $0xFFFFE000  }
0x81: {  	[spmem:s8], [sflag:s6] =	dma.local [hbm:s5], $0x800  }
0x82: {  	[tilespmem:s2], [sflag:$0x4] =	stream.linear.gather [hbm4b:s7+s2], $0x200, $0x38;
	[tilespmem:$0xA380] =	vst v63  }
0x83: {  	_ =	swait.ge [sflag:s9], $0x200  }
0x84: {  	[sflag:s9] =	ssyncset.done $0x0  }
0x85: {  	[sflag:s9] =	ssyncadd.s32 $0xFFFFFE00  }
0x86: {  	v40 =	vld.idx.msk [tilespmem:v1+s2+$0x0], $0xffff  }
0x87: {  	v41 =	vld.idx.msk [tilespmem:v0+s2+$0x0], $0xffff  }
0x88: {  	v42 =	vld.idx.msk [tilespmem:v2+s2+$0x0], $0xffff  }
0x89: {  	v43 =	vld.idx.msk [tilespmem:v3+s2+$0x0], $0xffff;
	_ =	sdelay $0x2  }
0x8a: {  	v40 =	vmul.f32 $1.023000000e+03, v40  }
0x8b: {  	v41 =	vmul.f32 $1.023000000e+03, v41  }
0x8c: {  	v40 =	vtrunc.f32 v40  }
0x8d: {  	v42 =	vmul.f32 $1.023000000e+03, v42;
	v40 =	vcvt.f32.s32 v40  }
0x8e: {  	v41 =	vtrunc.f32 v41;
	v43 =	vmul.f32 $1.023000000e+03, v43  }
0x8f: {  	v41 =	vcvt.f32.s32 v41;
	v42 =	vtrunc.f32 v42  }
0x90: {  	v42 =	vcvt.f32.s32 v42;
	vm0 =	vgt.s32 v40, $0x0;
	v43 =	vtrunc.f32 v43  }
0x91: {  	vm1 =	vgt.s32 v41, $0x0;
	v40 =	vnsel vm0, $0x0, v40;
	v43 =	vcvt.f32.s32 v43  }
0x92: {  	v41 =	vnsel vm1, $0x0, v41;
	vm0 =	vgt.s32 v42, $0x0;
	v40 =	vmin.u32 v40, $0x3FF  }
0x93: {  	v41 =	vmin.u32 v41, $0x3FF;
	v42 =	vnsel vm0, $0x0, v42;
	vm0 =	vgt.s32 v43, $0x0  }
0x94: {  	v42 =	vmin.u32 v42, $0x3FF;
	v43 =	vnsel vm0, $0x0, v43;
	v44 =	vsub.s32 v40, v41;
	[tilespmem:v4+s4+$0x0] =	vst.idx.msk $0xffff, v41  }
0x95: {  	vm0 =	vgt.s32 v44, $0x0;
	v41 =	vmin.u32 v43, $0x3FF;
	v43 =	vor.u32 $0x400, v42  }
0x96: {  	v44 =	vnsel vm0, $0x0, v44;
	v42 =	vsub.s32 v41, v42;
	[tilespmem:v5+s4+$0x0] =	vst.idx.msk $0xffff, v43  }
0x97: {  	vm0 =	vgt.s32 v42, $0x0;
	[tilespmem:v6+s4+$0x0] =	vst.idx.msk $0xffff, v40;
	v40 =	vor.u32 $0x400, v41  }
0x98: {  	v41 =	vnsel vm0, $0x0, v42;
	[tilespmem:v7+s4+$0x0] =	vst.idx.msk $0xffff, v40;
	v40 =	vor.u32 $0x800, v44  }
0x99: {  	[tilespmem:v8+s4+$0x0] =	vst.idx.msk $0xffff, v40;
	v40 =	vor.u32 $0xC00, v41  }
0x9a: {  	[tilespmem:v9+s4+$0x0] =	vst.idx.msk $0xffff, v40  }
0x9b: {  	v40 =	vld.idx.msk [tilespmem:v10+s2+$0x0], $0xffff  }
0x9c: {  	v41 =	vld.idx.msk [tilespmem:v11+s2+$0x0], $0xffff  }
0x9d: {  	v42 =	vld.idx.msk [tilespmem:v12+s2+$0x0], $0xffff  }
0x9e: {  	v43 =	vld.idx.msk [tilespmem:v13+s2+$0x0], $0xffff;
	_ =	sdelay $0x2  }
0x9f: {  	v40 =	vmul.f32 $1.023000000e+03, v40  }
0xa0: {  	v41 =	vmul.f32 $1.023000000e+03, v41  }
0xa1: {  	v40 =	vtrunc.f32 v40;
	v42 =	vmul.f32 $1.023000000e+03, v42  }
0xa2: {  	v40 =	vcvt.f32.s32 v40;
	v43 =	vmul.f32 $1.023000000e+03, v43  }
0xa3: {  	v41 =	vtrunc.f32 v41;
	v42 =	vtrunc.f32 v42  }
0xa4: {  	v41 =	vcvt.f32.s32 v41;
	vm0 =	vgt.s32 v40, $0x0;
	v43 =	vtrunc.f32 v43  }
0xa5: {  	v42 =	vcvt.f32.s32 v42;
	v40 =	vnsel vm0, $0x0, v40;
	v43 =	vcvt.f32.s32 v43  }
0xa6: {  	vm0 =	vgt.s32 v41, $0x0  }
0xa7: {  	v41 =	vnsel vm0, $0x0, v41;
	vm0 =	vgt.s32 v42, $0x0;
	vm1 =	vgt.s32 v43, $0x0  }
0xa8: {  	v40 =	vmin.u32 v40, $0x3FF;
	v42 =	vnsel vm0, $0x0, v42;
	v43 =	vnsel vm1, $0x0, v43  }
0xa9: {  	v41 =	vmin.u32 v41, $0x3FF;
	v42 =	vmin.u32 v42, $0x3FF;
	v43 =	vmin.u32 v43, $0x3FF  }
0xaa: {  	v44 =	vsub.s32 v41, v40;
	v45 =	vsub.s32 v42, v43;
	[tilespmem:v14+s4+$0x0] =	vst.idx.msk $0xffff, v40;
	v40 =	vor.u32 $0x400, v43  }
0xab: {  	vm0 =	vgt.s32 v44, $0x0;
	vm1 =	vgt.s32 v45, $0x0;
	[tilespmem:v15+s4+$0x0] =	vst.idx.msk $0xffff, v40  }
0xac: {  	v40 =	vnsel vm0, $0x0, v44;
	v43 =	vnsel vm1, $0x0, v45;
	[tilespmem:v16+s4+$0x0] =	vst.idx.msk $0xffff, v41;
	v41 =	vor.u32 $0x400, v42  }
0xad: {  	v40 =	vor.u32 $0x800, v40;
	[tilespmem:v17+s4+$0x0] =	vst.idx.msk $0xffff, v41  }
0xae: {  	[tilespmem:v18+s4+$0x0] =	vst.idx.msk $0xffff, v40;
	v40 =	vor.u32 $0xC00, v43  }
0xaf: {  	[tilespmem:v19+s4+$0x0] =	vst.idx.msk $0xffff, v40  }
0xb0: {  	v40 =	vld.idx.msk [tilespmem:v20+s2+$0x0], $0xffff  }
0xb1: {  	v41 =	vld.idx.msk [tilespmem:v21+s2+$0x0], $0xffff;
	_ =	sdelay $0x1  }
0xb2: {  	v42 =	vld.idx.msk [tilespmem:v22+s2+$0x0], $0xffff  }
0xb3: {  	v43 =	vld.idx.msk [tilespmem:v23+s2+$0x0], $0xffff;
	_ =	sdelay $0x1  }
0xb4: {  	v40 =	vmul.f32 $1.023000000e+03, v40  }
0xb5: {  	v41 =	vmul.f32 $1.023000000e+03, v41  }
0xb6: {  	v40 =	vtrunc.f32 v40  }
0xb7: {  	v42 =	vmul.f32 $1.023000000e+03, v42;
	v40 =	vcvt.f32.s32 v40  }
0xb8: {  	v41 =	vtrunc.f32 v41;
	v43 =	vmul.f32 $1.023000000e+03, v43  }
0xb9: {  	v41 =	vcvt.f32.s32 v41;
	v42 =	vtrunc.f32 v42;
	vm0 =	vgt.s32 v40, $0x0  }
0xba: {  	v43 =	vtrunc.f32 v43;
	v42 =	vcvt.f32.s32 v42;
	v40 =	vnsel vm0, $0x0, v40  }
0xbb: {  	vm0 =	vgt.s32 v41, $0x0;
	v43 =	vcvt.f32.s32 v43  }
0xbc: {  	v41 =	vnsel vm0, $0x0, v41;
	vm1 =	vgt.s32 v42, $0x0  }
0xbd: {  	vm0 =	vgt.s32 v43, $0x0;
	v42 =	vnsel vm1, $0x0, v42  }
0xbe: {  	v41 =	vmin.u32 v41, $0x3FF;
	v43 =	vnsel vm0, $0x0, v43;
	v42 =	vmin.u32 v42, $0x3FF  }
0xbf: {  	v40 =	vmin.u32 v40, $0x3FF;
	v43 =	vmin.u32 v43, $0x3FF;
	v44 =	vsub.s32 v41, v42  }
.Ltmp1:
0xc0: {  	v42 =	vor.u32 $0x400, v42;
	v45 =	vsub.s32 v40, v43;
	vm0 =	vgt.s32 v44, $0x0;
	[tilespmem:v26+s4+$0x0] =	vst.idx.msk $0xffff, v43;
	(pc) =	sbr.rel @p0 .LBB2_1-.Ltmp1, $4  }
0xc1: {  	vm1 =	vgt.s32 v45, $0x0;
	v43 =	vnsel vm0, $0x0, v44;
	[tilespmem:v27+s4+$0x0] =	vst.idx.msk $0xffff, v42  }
0xc2: {  	v42 =	vnsel vm1, $0x0, v45;
	[tilespmem:v28+s4+$0x0] =	vst.idx.msk $0xffff, v40;
	v40 =	vor.u32 $0x400, v41  }
0xc3: {  	[tilespmem:v29+s4+$0x0] =	vst.idx.msk $0xffff, v40;
	v40 =	vor.u32 $0x800, v42  }
0xc4: {  	[tilespmem:v32+s4+$0x0] =	vst.idx.msk $0xffff, v40;
	v40 =	vor.u32 $0xC00, v43  }
.LBB2_2:
0xc5: {  	_ =	sdelay $0x3  }
0xc6: {  	[tilespmem:v30+s4+$0x0] =	vst.idx.msk $0xffff, v40  }
0xc7: {  	v0 =	vld.idx.msk [tilespmem:v36+s2+$0x0], $0xffff  }
0xc8: {  	v1 =	vld.idx.msk [tilespmem:v31+s2+$0x0], $0xffff  }
0xc9: {  	v2 =	vld.idx.msk [tilespmem:v34+s2+$0x0], $0xffff  }
0xca: {  	v3 =	vld.idx.msk [tilespmem:v33+s2+$0x0], $0xffff;
	_ =	sdelay $0x3  }
0xcb: {  	v1 =	vmul.f32 $1.023000000e+03, v1;
	v2 =	vmul.f32 $1.023000000e+03, v2  }
0xcc: {  	v0 =	vmul.f32 $1.023000000e+03, v0;
	v3 =	vmul.f32 $1.023000000e+03, v3  }
0xcd: {  	v1 =	vtrunc.f32 v1;
	v2 =	vtrunc.f32 v2  }
0xce: {  	v3 =	vtrunc.f32 v3;
	v0 =	vtrunc.f32 v0  }
0xcf: {  	v1 =	vcvt.f32.s32 v1;
	v2 =	vcvt.f32.s32 v2  }
0xd0: {  	v3 =	vcvt.f32.s32 v3;
	v0 =	vcvt.f32.s32 v0  }
0xd1: {  	vm0 =	vgt.s32 v1, $0x0;
	vm1 =	vgt.s32 v2, $0x0  }
0xd2: {  	vm12 =	vgt.s32 v3, $0x0;
	vm13 =	vgt.s32 v0, $0x0;
	v1 =	vnsel vm0, $0x0, v1  }
0xd3: {  	v2 =	vnsel vm1, $0x0, v2;
	v3 =	vnsel vm12, $0x0, v3;
	v0 =	vnsel vm13, $0x0, v0  }
0xd4: {  	v1 =	vmin.u32 v1, $0x3FF;
	v3 =	vmin.u32 v3, $0x3FF;
	v2 =	vmin.u32 v2, $0x3FF  }
0xd5: {  	v0 =	vmin.u32 v0, $0x3FF;
	v4 =	vsub.s32 v2, v1;
	[tilespmem:v24+s4+$0x0] =	vst.idx.msk $0xffff, v1;
	v59 =	vor.u32 $0x400, v3  }
0xd6: {  	v3 =	vsub.s32 v0, v3;
	vm14 =	vgt.s32 v4, $0x0;
	[tilespmem:v25+s4+$0x0] =	vst.idx.msk $0xffff, v59  }
0xd7: {  	v0 =	vor.u32 $0x400, v0;
	vm15 =	vgt.s32 v3, $0x0;
	v60 =	vnsel vm14, $0x0, v4;
	[tilespmem:v35+s4+$0x0] =	vst.idx.msk $0xffff, v2  }
0xd8: {  	v61 =	vnsel vm15, $0x0, v3;
	[tilespmem:v37+s4+$0x0] =	vst.idx.msk $0xffff, v0;
	v62 =	vor.u32 $0x800, v60  }
0xd9: {  	v63 =	vor.u32 $0xC00, v61;
	[tilespmem:v38+s4+$0x0] =	vst.idx.msk $0xffff, v62  }
0xda: {  	[tilespmem:v39+s4+$0x0] =	vst.idx.msk $0xffff, v63  }
0xdb: {  	_ =	swait.ge [sflag:s18], $0x800  }
0xdc: {  	[sflag:s18] =	ssyncset.done $0x0  }
0xdd: {  	[sflag:s18] =	ssyncadd.s32 $0xFFFFF800  }
0xde: {  	[bflag:$0x0] =	sbarrier.arrive $0xFFFF  }
0xdf: {  	[tilespmem:s15], [sflag:$0x2] =	stream.indirect.gather [spmem:s3], $0x40, s4, s14, $0xb8;
	[tilespmem:$0xA380] =	vst v63  }
0xe0: {  	_ = 	snop  }
0xe1: {  	[tilespmem:s13], [sflag:$0x2] =	stream.indirect.gather [spmem:s3], $0x40, s19, s14, $0xb8;
	[tilespmem:$0xA380] =	vst v63  }
0xe2: {  	_ = 	snop  }
0xe3: {  	[tilespmem:s17], [sflag:$0x2] =	stream.indirect.gather [spmem:s3], $0x40, s21, s14, $0xb8;
	[tilespmem:$0xA380] =	vst v63  }
0xe4: {  	_ =	swait.ge [sflag:s20], $0x2000  }
0xe5: {  	[sflag:s20] =	ssyncset.done $0x0  }
0xe6: {  	[sflag:s20] =	ssyncadd.s32 $0xFFFFE000  }
0xe7: {  	[hbm4b:s12+s2] =	stream.linear.scatter [tilespmem:s15], [sflag:$0x3], $0x2000, $0x38;
	[tilespmem:$0xA380] =	vst v63  }
0xe8: {  	_ =	swait.ge [sflag:s20], $0x2000  }
0xe9: {  	[sflag:s20] =	ssyncset.done $0x0  }
0xea: {  	[sflag:s20] =	ssyncadd.s32 $0xFFFFE000  }
0xeb: {  	[hbm4b:s11+s2] =	stream.linear.scatter [tilespmem:s13], [sflag:$0x3], $0x2000, $0x38;
	[tilespmem:$0xA380] =	vst v63  }
0xec: {  	_ =	swait.ge [sflag:s20], $0x2000  }
0xed: {  	[sflag:s20] =	ssyncset.done $0x0  }
0xee: {  	[sflag:s20] =	ssyncadd.s32 $0xFFFFE000  }
0xef: {  	[hbm4b:s10+s2] =	stream.linear.scatter [tilespmem:s17], [sflag:$0x3], $0x2000, $0x38;
	[tilespmem:$0xA380] =	vst v63  }
0xf0: {  	_ =	swait.ge [sflag:s16], $0x2000  }
0xf1: {  	[sflag:s16] =	ssyncset.done $0x0  }
0xf2: {  	[sflag:s16] =	ssyncadd.s32 $0xFFFFE000  }
0xf3: {  	_ =	swait.ge [sflag:s16], $0x2000  }
0xf4: {  	[sflag:s16] =	ssyncset.done $0x0  }
0xf5: {  	[sflag:s16] =	ssyncadd.s32 $0xFFFFE000  }
0xf6: {  	_ =	swait.ge [sflag:s16], $0x2000  }
0xf7: {  	[sflag:s16] =	ssyncset.done $0x0  }
0xf8: {  	[sflag:s16] =	ssyncadd.s32 $0xFFFFE000  }
0xf9: {  	_ =	sfence.sel $0x180000  }
0xfa: {  	[bflag:$0x0] =	sbarrier.arrive $0xFFFF  }
0xfb: {  	p0 =	sne.s32 s0, $0x0;
	_ =	strace $0x90000047  }
0xfc: {  	s0 =	sadd.s32 @!p0 $0x100000, s1;
	[bflag:$0x2] =	sbarrier.arrive $0xFFFF  }
0xfd: {  	[sflag:s0] =	ssyncadd.tile.s32 @!p0 $0x1;
	_ =	shalt  }
.Lfunc_end2:
_tile_overlayer_lowered:
.L_overlay_start_2:
0xfe: {  	(tag) =	ssettag $0x2  }
0xff: {  	s0 =	rddreg [dreg:$0x0];
	s2 =	stileid.u32  }
0x100: {  	s1 =	rddreg [dreg:$0x1];
	p0 =	sne.s32 s2, $0x0  }
0x101: {  	s3 =	rddreg [dreg:$0x2];
	[bflag:$0x3] =	sbarrier.arrive $0xFFFF;
	s2 =	simm.s32 @!p0 $0x1C04  }
0x102: {  	[timem:s3], [sflag:s2] =	dma.local @!p0 [hbm:s0], s1  }
0x103: {  	s0 =	simm.s32 @!p0 $0x4  }
0x104: {  	_ =	swait.ge @!p0 [sflag:s0], s1  }
0x105: {  	s1 =	ssub.s32 @!p0 $0x0, s1;
	[sflag:s0] =	ssyncset.done @!p0 $0x0  }
0x106: {  	[sflag:s0] =	ssyncadd.s32 @!p0 s1  }
0x107: {  	[bflag:$0x3] =	sbarrier.arrive $0xFFFF  }
0x108: {  	_ =	shalt  }

// kernel: kernel.9.cloned.1.call-start
scs
__scs_entry_jumppad:
0x0: {  	(pc) =	sbr.rel $0x88, $3  }
0x1: {  	(tag) =	ssettag $0x0;
	lr =	simm.s32 $0x1  }
0x2: {  	[smem:$0x3F98] =	sst lr;
	_ =	strace $0xD0000000  }
0x3: {  	_ = 	snop  }
0x4: {  	_ = 	snop  }
0x5: {  	_ = 	snop  }
0x6: {  	_ = 	snop  }
0x7: {  	_ = 	snop  }
__scs_overlays_trampoline_lowered:
0x8: {  	[smem:$0x3FA7] =	sst s0  }
0x9: {  	[smem:$0x3FA8] =	sst s1  }
0xa: {  	[smem:$0x3FA9] =	sst s2  }
0xb: {  	[smem:$0x3FAA] =	sst s3  }
0xc: {  	[smem:$0x3FAB] =	sst s4  }
0xd: {  	[smem:$0x3FAC] =	sst s5  }
0xe: {  	[smem:$0x3FAD] =	sst s6  }
0xf: {  	[smem:$0x3FAE] =	sst s7  }
0x10: {  	[smem:$0x3FAF] =	sst s8  }
0x11: {  	[smem:$0x3FB0] =	sst s9;
	s0 =	simm.s32 @!p0 $0x0  }
0x12: {  	s1 =	sld [smem:$0x3F96];
	s0 =	simm.s32 @p0 $0x1  }
0x13: {  	[smem:$0x3FB1] =	sst s0;
	s0 =	simm.s32 @!p1 $0x0  }
0x14: {  	s2 =	sld [smem:$0x3F95];
	s0 =	simm.s32 @p1 $0x1  }
0x15: {  	[smem:$0x3FB2] =	sst s0;
	s0 =	simm.s32 @!p2 $0x0  }
0x16: {  	s3 =	sld [smem:$0x3FDB];
	s0 =	simm.s32 @p2 $0x1  }
0x17: {  	s4 =	simm.s32 $0x1BF5;
	[smem:$0x3FB4] =	sst s0  }
0x18: {  	s0 =	sld [smem:$0x3F97];
	_ =	swait.ge [sflag:s4], $0x0  }
0x19: {  	s7 =	sld [smem:$0x3F98]  }
0x1a: {  	s8 =	sadd.s32 $0xFFFFE003, lr  }
0x1b: {  	s9 =	sadd.s32 $0xFFFFFEF7, lr;
	s5 =	simm.s32 $0xFFFFFFFF;
	p2 =	slt.u32 s8, $0xFFFFF086  }
0x1c: {  	p1 =	slt.u32 s9, $0xF7A;
	s5 =	simm.s32 @!p2 $0x0  }
0x1d: {  	s5 =	simm.s32 @p1 $0x1;
	p0 =	seq.s32 s7, s2  }
0x1e: {  	s7 =	smul.u32 @!p0 $0xF7A, s2;
	p2 =	seq.s32 @!p0 s5, $0x0  }
0x1f: {  	s9 =	smul.u32 $0xF7A, s1;
	s8 =	simm.s32 @!p0 $0x1BF5;
	p2 =	por !p2, p0  }
0x20: {  	[sflag:s8] =	ssyncset.s32 @!p0 $0xFFFFF086;
	s6 =	sadd.s32 @!p0 s3, s7;
	s7 =	simm.s32 @!p0 $0x108  }
0x21: {  	s3 =	sadd.s32 s3, s9;
	s6 =	sadd.s32 @!p0 $0x88, s6;
	s7 =	simm.s32 @p2 $0x1082  }
0x22: {  	[simem:s7], [sflag:s8] =	dma.local @!p0 [hbm:s6], $0xF7A  }
0x23: {  	s9 =	sor.u32 $0xD0000000, s2;
	s6 =	simm.s32 $0x108;
	_ =	swait.ge @!p0 [sflag:s8], $0x0  }
0x24: {  	s3 =	sadd.s32 $0x88, s3;
	s6 =	simm.s32 @!p1 $0x1082;
	[sflag:s4] =	ssyncset.s32 $0xFFFFF086  }
0x25: {  	[simem:s6], [sflag:s4] =	dma.local [hbm:s3], $0xF7A  }
0x26: {  	[smem:$0x3F98] =	sst s1;
	(tag) =	ssettag s2;
	_ =	strace s9  }
0x27: {  	s1 =	sld [smem:$0x3FA8]  }
0x28: {  	s2 =	sld [smem:$0x3FA9]  }
0x29: {  	s4 =	sld [smem:$0x3FAB]  }
0x2a: {  	p0 =	seq.s32 s5, $0x0;
	s5 =	sld [smem:$0x3FAC]  }
0x2b: {  	s6 =	sld [smem:$0x3FAD]  }
0x2c: {  	s7 =	sld [smem:$0x3FAE]  }
0x2d: {  	s3 =	simm.s32 $0x108;
	s8 =	sld [smem:$0x3FAF]  }
0x2e: {  	s3 =	simm.s32 @!p0 $0x1082;
	s9 =	sld [smem:$0x3FB0]  }
0x2f: {  	lr =	sadd.s32 s0, s3;
	s0 =	sld [smem:$0x3FA7]  }
0x30: {  	s3 =	sld [smem:$0x3FAA]  }
0x31: {  	[smem:$0x3FB3] =	sst s10  }
0x32: {  	s10 =	sld [smem:$0x3FB1];
	_ =	sdelay $0x3  }
0x33: {  	p0 =	seq.s32 s10, $0x1;
	s10 =	sld [smem:$0x3FB3];
	_ =	sdelay $0x3  }
0x34: {  	[smem:$0x3FB3] =	sst s10  }
0x35: {  	s10 =	sld [smem:$0x3FB2];
	_ =	sdelay $0x3  }
0x36: {  	p1 =	seq.s32 s10, $0x1;
	s10 =	sld [smem:$0x3FB3];
	_ =	sdelay $0x3  }
0x37: {  	[smem:$0x3FB3] =	sst s10  }
0x38: {  	s10 =	sld [smem:$0x3FB4]  }
0x39: {  	_ = 	snop;
	(pc) =	sbr.ind lr, $3  }
0x3a: {  	_ = 	snop  }
0x3b: {  	_ = 	snop  }
0x3c: {  	p2 =	seq.s32 s10, $0x1;
	s10 =	sld [smem:$0x3FB3]  }
0x3d: {  	_ =	shalt  }
0x3e: {  	_ =	shalt  }
0x3f: {  	_ =	shalt  }
0x40: {  	_ =	shalt  }
0x41: {  	_ =	shalt  }
0x42: {  	_ =	shalt  }
0x43: {  	_ =	shalt  }
0x44: {  	_ =	shalt  }
0x45: {  	_ =	shalt  }
0x46: {  	_ =	shalt  }
0x47: {  	_ =	shalt  }
0x48: {  	_ =	shalt  }
0x49: {  	_ =	shalt  }
0x4a: {  	_ =	shalt  }
0x4b: {  	_ =	shalt  }
0x4c: {  	_ =	shalt  }
0x4d: {  	_ =	shalt  }
0x4e: {  	_ =	shalt  }
0x4f: {  	_ =	shalt  }
0x50: {  	_ =	shalt  }
0x51: {  	_ =	shalt  }
0x52: {  	_ =	shalt  }
0x53: {  	_ =	shalt  }
0x54: {  	_ =	shalt  }
0x55: {  	_ =	shalt  }
0x56: {  	_ =	shalt  }
0x57: {  	_ =	shalt  }
0x58: {  	_ =	shalt  }
0x59: {  	_ =	shalt  }
0x5a: {  	_ =	shalt  }
0x5b: {  	_ =	shalt  }
0x5c: {  	_ =	shalt  }
0x5d: {  	_ =	shalt  }
0x5e: {  	_ =	shalt  }
0x5f: {  	_ =	shalt  }
0x60: {  	_ =	shalt  }
0x61: {  	_ =	shalt  }
0x62: {  	_ =	shalt  }
0x63: {  	_ =	shalt  }
0x64: {  	_ =	shalt  }
0x65: {  	_ =	shalt  }
0x66: {  	_ =	shalt  }
0x67: {  	_ =	shalt  }
0x68: {  	_ =	shalt  }
0x69: {  	_ =	shalt  }
0x6a: {  	_ =	shalt  }
0x6b: {  	_ =	shalt  }
0x6c: {  	_ =	shalt  }
0x6d: {  	_ =	shalt  }
0x6e: {  	_ =	shalt  }
0x6f: {  	_ =	shalt  }
0x70: {  	_ =	shalt  }
0x71: {  	_ =	shalt  }
0x72: {  	_ =	shalt  }
0x73: {  	_ =	shalt  }
0x74: {  	_ =	shalt  }
0x75: {  	_ =	shalt  }
0x76: {  	_ =	shalt  }
0x77: {  	_ =	shalt  }
0x78: {  	_ =	shalt  }
0x79: {  	_ =	shalt  }
0x7a: {  	_ =	shalt  }
0x7b: {  	_ =	shalt  }
0x7c: {  	_ =	shalt  }
0x7d: {  	_ =	shalt  }
0x7e: {  	_ =	shalt  }
0x7f: {  	_ =	shalt  }
0x80: {  	_ =	shalt  }
0x81: {  	_ =	shalt  }
0x82: {  	_ =	shalt  }
0x83: {  	_ =	shalt  }
0x84: {  	_ =	shalt  }
0x85: {  	_ =	shalt  }
0x86: {  	_ =	shalt  }
0x87: {  	_ =	shalt  }
.Lfunc_end0:
.L_simem_size_0:
called_computation.1_lowered:
.L_overlay_start_0:
0x88: {  	s2 =	sld [smem:$0x3FD9]  }
0x89: {  	s3 =	sld [smem:$0x3FFE];
	_ =	sdelay $0x1  }
0x8a: {  	s1 =	srdreg.scid  }
0x8b: {  	s0 =	sand.u32 $0x1, s1  }
0x8c: {  	s17 =	sshll.u32 s0, $0xA;
	s2 =	sadd.s32 s3, s2  }
0x8d: {  	s2 =	sadd.s32 s2, s17  }
0x8e: {  	[smem:$0x3FBF] =	sst s2  }
0x8f: {  	_ = 	snop  }
0x90: {  	s18 =	sld [smem:$0x3FD0];
	(tm) =	ssettm $0x1  }
0x91: {  	s19 =	sld [smem:$0x3FFB];
	_ =	sdelay $0x3  }
0x92: {  	_ =	strace s19  }
0x93: {  	s2 =	sld [smem:$0x3FFC];
	_ =	sdelay $0x3  }
0x94: {  	_ =	strace s2  }
0x95: {  	s2 =	sld [smem:$0x3FFD];
	_ =	sdelay $0x3  }
0x96: {  	_ =	strace s2  }
0x97: {  	_ =	strace $0x8FFFFFFF  }
0x98: {  	s20 =	sld [smem:$0x3FDB];
	_ =	sdelay $0x1  }
0x99: {  	s4 =	simm.s32 $_scs_section_size  }
0x9a: {  	s5 =	simm.s32 $_size__tile_overlayer_lowered;
	s6 =	simm.s32 $_tile_overlayer_lowered  }
0x9b: {  	s7 =	simm.s32 $0x1BFF;
	s21 =	sshll.u32 s6, $0x1;
	s4 =	sadd.s32 s4, s20  }
0x9c: {  	s22 =	simm.s32 $0x0;
	s5 =	sshll.u32 s5, $0x1;
	s6 =	sadd.s32 s21, s4  }
0x9d: {  	[timem:s22], [sflag:s7] =	dma.local [hbm:s6], s5  }
0x9e: {  	_ =	swait.ge [sflag:s7], s5  }
0x9f: {  	s5 =	ssub.s32 $0x0, s5;
	[sflag:s7] =	ssyncset.done $0x0  }
0xa0: {  	[sflag:s7] =	ssyncadd.s32 s5;
	_ =	sdelay $0x1  }
0xa1: {  	s23 =	simm.s32 $0x1B8B  }
0xa2: {  	_ =	swait.ge [sflag:s23], $0x1  }
0xa3: {  	[sflag:s23] =	ssyncset.done $0x0  }
0xa4: {  	[sflag:s23] =	ssyncadd.s32 $0xFFFFFFFF  }
0xa5: {  	s5 =	sld [smem:$0x0]  }
0xa6: {  	s6 =	sand.u32 $0xFFFFFFFE, s1  }
0xa7: {  	p0 =	sne.s32 s1, s6  }
0xa8: {  	s6 =	sshll.u32 @p0 s6, $0xE  }
0xa9: {  	s6 =	sadd.s32 @p0 $0x11B8D, s6;
	s7 =	sshll.u32 @p0 s5, $0x11  }
0xaa: {  	s6 =	sor.u32 @p0 s7, s6  }
0xab: {  	[sflag:s6] =	ssyncadd.remote.s32 @p0 $0x1;
	_ =	sdelay $0x1  }
0xac: {  	s6 =	simm.s32 @p0 $0x1B8D  }
0xad: {  	_ =	swait.eq @p0 [sflag:s6], $0x1  }
0xae: {  	[sflag:s6] =	ssyncadd.s32 @p0 $0xFFFFFFFF  }
0xaf: {  	s7 =	sshll.u32 @!p0 s1, $0xE  }
0xb0: {  	s7 =	sor.u32 @!p0 $0x4000, s7;
	s6 =	simm.s32 @!p0 $0x1B8D  }
0xb1: {  	s5 =	sshll.u32 @!p0 s5, $0x11;
	s7 =	sadd.s32 @!p0 $0x11B8D, s7;
	_ =	swait.eq @!p0 [sflag:s6], $0x1  }
0xb2: {  	s5 =	sor.u32 @!p0 s5, s7;
	[sflag:s6] =	ssyncadd.s32 @!p0 $0xFFFFFFFF  }
0xb3: {  	s25 =	simm.s32 $0x1B8E;
	s24 =	sld [smem:$0x3FFE];
	[sflag:s5] =	ssyncadd.remote.s32 @!p0 $0x1  }
0xb4: {  	s26 =	simm.s32 $execute0_lowered;
	[smem:$0x3FD2] =	sst s25  }
0xb5: {  	s6 =	sshll.u32 s26, $0x1;
	_ =	strace $0x80000049;
	[dreg:$0x1] =	wrdreg $0xFFFFFFFF  }
0xb6: {  	s28 =	simm.s32 $_size_execute0_lowered;
	s4 =	sadd.s32 s4, s6;
	[dreg:$0x0] =	wrdreg $0x0  }
0xb7: {  	s6 =	sshll.u32 s28, $0x1;
	[dreg:$0x2] =	wrdreg s4  }
0xb8: {  	[dreg:$0x3] =	wrdreg s6  }
0xb9: {  	[dreg:$0x4] =	wrdreg $0xC0  }
0xba: {  	_ =	task [dreg:s22], $0x5FFFF  }
0xbb: {  	[dreg:$0x1] =	wrdreg $0xFFFFFFFF  }
0xbc: {  	[dreg:$0x0] =	wrdreg $0x60  }
0xbd: {  	[dreg:$0x2] =	wrdreg s24  }
0xbe: {  	[dreg:$0x3] =	wrdreg s18  }
0xbf: {  	[dreg:$0x4] =	wrdreg $0x63800  }
0xc0: {  	[dreg:$0x5] =	wrdreg $0xA  }
0xc1: {  	_ =	task.clear_ibuf [dreg:s22], $0x6FFFF;
	_ =	strace $0x90000049  }
0xc2: {  	s29 =	simm.s32 $0xA;
	_ =	strace $0x8000004B  }
0xc3: {  	_ =	swait.ge [sflag:s29], $0x1  }
0xc4: {  	[sflag:s29] =	ssyncadd.s32 $0xFFFFFFFF  }
0xc5: {  	_ =	strace $0x9000004B  }
0xc6: {  	_ =	sfence  }
0xc7: {  	s30 =	sld [smem:$0x0];
	_ =	sdelay $0x2  }
0xc8: {  	s31 =	sshll.u32 s1, $0xD;
	s1 =	sshrl.u32 s1, $0x2  }
0xc9: {  	s4 =	sand.u32 $0x4000, s31;
	s1 =	sadd.s32 s1, s30  }
0xca: {  	s0 =	sor.u32 s4, s0;
	s1 =	sshll.u32 s1, $0x11  }
0xcb: {  	s0 =	sor.u32 s1, s0  }
0xcc: {  	s0 =	sadd.s32 $0x8F2B, s0  }
0xcd: {  	[sflag:s0] =	ssyncadd.remote.s32 $0x1  }
0xce: {  	_ =	sfence.sel $0xFFFF  }
0xcf: {  	[dreg:$0x0] =	wrdreg $0xFFFFFFFF;
	(pc) =	sbr.abs _section_cstart, $3  }
0xd0: {  	[dreg:$0x1] =	wrdreg $0xFFFFFFFF  }
0xd1: {  	_ =	task.clear_ibuf [dreg:s22], $0x2FFFF;
	_ =	strace $0x9FFFFFFF  }
0xd2: {  	(tm) =	ssettm $0x7FFFFFFF  }
0xd3: {  	_ =	shalt  }
tec
execute0_lowered:
.L_overlay_start_1:
0x0: {  	(tag) =	ssettag $0x1  }
0x1: {  	s4 =	rddreg [dreg:$0x0]  }
0x2: {  	s10 =	rddreg [dreg:$0x1];
	s1 =	srdreg.scid  }
0x3: {  	s0 =	stileid.u32;
	s3 =	rddreg [dreg:$0x2];
	s2 =	simm.s32 $0x0  }
0x4: {  	s9 =	simm.s32 $0x4;
	s12 =	sand.u32 $0x1, s1;
	s1 =	rddreg [dreg:$0x3]  }
0x5: {  	s5 =	sshll.u32 s0, $0x1;
	[smem:$0x7FF] =	sst s2;
	s30 =	sshll.u32 s0, $0xB  }
0x6: {  	s31 =	sshll.u32 s0, $0xE;
	s6 =	sshll.u32 s0, $0x6;
	s11 =	sor.u32 s12, s5  }
0x7: {  	v4 =	vlaneseq.u32;
	_ =	strace $0x8000004A;
	s8 =	sadd.s32 s31, s3;
	s5 =	sshll.u32 s11, $0x6  }
0x8: {  	v0 =	vmul.u32 $0x8, v4;
	s6 =	sor.u32 $0x1C01, s6;
	s7 =	sadd.s32 s5, s4;
	s4 =	sadd.s32 s30, s4  }
0x9: {  	s8 =	sshrl.u32 s8, $0x3;
	s5 =	sadd.s32 $0x2000, s4;
	s7 =	sadd.s32 $0xA800, s7  }
0xa: {  	v1 =	vor.u32 $0x2, v0;
	[spmem:s8], [sflag:s6] =	dma.local [hbm:s5], $0x800  }
0xb: {  	v2 =	vor.u32 $0x1, v0;
	[tilespmem:s2], [sflag:$0x4] =	stream.linear.gather [hbm4b:s7+s2], $0x200, $0x38;
	[tilespmem:$0xA380] =	vst v63  }
0xc: {  	_ =	swait.ge [sflag:s9], $0x200  }
0xd: {  	[sflag:s9] =	ssyncset.done $0x0  }
0xe: {  	v3 =	vor.u32 $0x3, v0;
	[sflag:s9] =	ssyncadd.s32 $0xFFFFFE00  }
0xf: {  	v5 =	vld.idx.msk [tilespmem:v1+s2+$0x0], $0xffff  }
0x10: {  	v8 =	vld.idx.msk [tilespmem:v2+s2+$0x0], $0xffff  }
0x11: {  	v7 =	vld.idx.msk [tilespmem:v0+s2+$0x0], $0xffff;
	_ =	sdelay $0x1  }
0x12: {  	v9 =	vld.idx.msk [tilespmem:v3+s2+$0x0], $0xffff  }
0x13: {  	v4 =	vmul.u32 $0x6, v4;
	v10 =	vmul.f32 $1.023000000e+03, v5  }
0x14: {  	v12 =	vmul.f32 $1.023000000e+03, v8  }
0x15: {  	v6 =	vadd.s32 $0x2, v4;
	v11 =	vmul.f32 $1.023000000e+03, v7;
	v10 =	vtrunc.f32 v10  }
0x16: {  	v5 =	vor.u32 $0x1, v4;
	v12 =	vtrunc.f32 v12;
	v13 =	vcvt.f32.s32 v10  }
0x17: {  	v7 =	vadd.s32 $0x3, v4;
	v10 =	vtrunc.f32 v11;
	v11 =	vmul.f32 $1.023000000e+03, v9  }
0x18: {  	v8 =	vadd.s32 $0x4, v4;
	v9 =	vadd.s32 $0x5, v4;
	v12 =	vcvt.f32.s32 v12  }
0x19: {  	v14 =	vcvt.f32.s32 v10;
	v10 =	vor.u32 $0x80, v0;
	v11 =	vtrunc.f32 v11  }
0x1a: {  	vm0 =	vgt.s32 v13, $0x0;
	vm12 =	vgt.s32 v12, $0x0;
	v11 =	vcvt.f32.s32 v11  }
0x1b: {  	vm1 =	vgt.s32 v14, $0x0;
	v13 =	vnsel vm0, $0x0, v13;
	v12 =	vnsel vm12, $0x0, v12  }
0x1c: {  	v14 =	vnsel vm1, $0x0, v14;
	v13 =	vmin.u32 v13, $0x3FF;
	vm13 =	vgt.s32 v11, $0x0  }
0x1d: {  	s4 =	simm.s32 $0x200;
	v12 =	vmin.u32 v12, $0x3FF;
	v14 =	vmin.u32 v14, $0x3FF;
	v11 =	vnsel vm13, $0x0, v11  }
0x1e: {  	v16 =	vor.u32 $0x400, v12;
	v15 =	vsub.s32 v13, v14;
	[tilespmem:v4+s4+$0x0] =	vst.idx.msk $0xffff, v14;
	v14 =	vmin.u32 v11, $0x3FF  }
0x1f: {  	v11 =	vor.u32 $0x82, v0;
	vm14 =	vgt.s32 v15, $0x0;
	[tilespmem:v5+s4+$0x0] =	vst.idx.msk $0xffff, v16;
	v17 =	vsub.s32 v14, v12  }
0x20: {  	v15 =	vnsel vm14, $0x0, v15;
	[tilespmem:v6+s4+$0x0] =	vst.idx.msk $0xffff, v13;
	v13 =	vor.u32 $0x400, v14;
	vm15 =	vgt.s32 v17, $0x0  }
0x21: {  	v12 =	vor.u32 $0x83, v0;
	[tilespmem:v7+s4+$0x0] =	vst.idx.msk $0xffff, v13;
	v15 =	vor.u32 $0x800, v15;
	v14 =	vnsel vm15, $0x0, v17  }
0x22: {  	v13 =	vor.u32 $0x81, v0;
	[tilespmem:v8+s4+$0x0] =	vst.idx.msk $0xffff, v15;
	v14 =	vor.u32 $0xC00, v14  }
0x23: {  	[tilespmem:v9+s4+$0x0] =	vst.idx.msk $0xffff, v14  }
0x24: {  	v14 =	vld.idx.msk [tilespmem:v10+s2+$0x0], $0xffff  }
0x25: {  	v17 =	vld.idx.msk [tilespmem:v11+s2+$0x0], $0xffff  }
0x26: {  	v18 =	vld.idx.msk [tilespmem:v12+s2+$0x0], $0xffff  }
0x27: {  	v19 =	vld.idx.msk [tilespmem:v13+s2+$0x0], $0xffff;
	_ =	sdelay $0x3  }
0x28: {  	v16 =	vadd.s32 $0x62, v4;
	v20 =	vmul.f32 $1.023000000e+03, v14;
	v22 =	vmul.f32 $1.023000000e+03, v18  }
0x29: {  	v15 =	vadd.s32 $0x61, v4;
	v21 =	vmul.f32 $1.023000000e+03, v17;
	v23 =	vmul.f32 $1.023000000e+03, v19  }
0x2a: {  	v14 =	vadd.s32 $0x60, v4;
	v20 =	vtrunc.f32 v20;
	v22 =	vtrunc.f32 v22  }
0x2b: {  	v17 =	vadd.s32 $0x63, v4;
	v24 =	vcvt.f32.s32 v20;
	v20 =	vtrunc.f32 v21  }
0x2c: {  	v18 =	vadd.s32 $0x64, v4;
	v21 =	vtrunc.f32 v23;
	v22 =	vcvt.f32.s32 v22  }
0x2d: {  	v19 =	vadd.s32 $0x65, v4;
	v23 =	vcvt.f32.s32 v20;
	v21 =	vcvt.f32.s32 v21  }
0x2e: {  	v20 =	vor.u32 $0x102, v0;
	vm4 =	vgt.s32 v24, $0x0;
	vm7 =	vgt.s32 v22, $0x0  }
0x2f: {  	vm5 =	vgt.s32 v23, $0x0;
	v24 =	vnsel vm4, $0x0, v24;
	vm6 =	vgt.s32 v21, $0x0  }
0x30: {  	v22 =	vnsel vm7, $0x0, v22;
	v23 =	vnsel vm5, $0x0, v23;
	v21 =	vnsel vm6, $0x0, v21  }
0x31: {  	v24 =	vmin.u32 v24, $0x3FF;
	v25 =	vmin.u32 v21, $0x3FF;
	v23 =	vmin.u32 v23, $0x3FF  }
0x32: {  	v22 =	vmin.u32 v22, $0x3FF;
	[tilespmem:v14+s4+$0x0] =	vst.idx.msk $0xffff, v24;
	v26 =	vsub.s32 v23, v24;
	v24 =	vor.u32 $0x400, v25  }
0x33: {  	v21 =	vor.u32 $0x103, v0;
	v25 =	vsub.s32 v22, v25;
	vm8 =	vgt.s32 v26, $0x0;
	[tilespmem:v15+s4+$0x0] =	vst.idx.msk $0xffff, v24  }
0x34: {  	vm9 =	vgt.s32 v25, $0x0;
	v24 =	vnsel vm8, $0x0, v26;
	[tilespmem:v16+s4+$0x0] =	vst.idx.msk $0xffff, v23;
	v23 =	vor.u32 $0x400, v22  }
0x35: {  	v22 =	vor.u32 $0x101, v0;
	v25 =	vnsel vm9, $0x0, v25;
	[tilespmem:v17+s4+$0x0] =	vst.idx.msk $0xffff, v23;
	v24 =	vor.u32 $0x800, v24  }
0x36: {  	v23 =	vor.u32 $0x100, v0;
	[tilespmem:v18+s4+$0x0] =	vst.idx.msk $0xffff, v24;
	v24 =	vor.u32 $0xC00, v25  }
0x37: {  	[tilespmem:v19+s4+$0x0] =	vst.idx.msk $0xffff, v24  }
0x38: {  	v24 =	vld.idx.msk [tilespmem:v20+s2+$0x0], $0xffff  }
0x39: {  	v25 =	vld.idx.msk [tilespmem:v21+s2+$0x0], $0xffff  }
0x3a: {  	v33 =	vld.idx.msk [tilespmem:v22+s2+$0x0], $0xffff  }
0x3b: {  	v34 =	vld.idx.msk [tilespmem:v23+s2+$0x0], $0xffff  }
0x3c: {  	v27 =	vadd.s32 $0xC1, v4;
	v28 =	vadd.s32 $0xC2, v4  }
0x3d: {  	v29 =	vadd.s32 $0xC3, v4;
	v32 =	vadd.s32 $0xC4, v4;
	v24 =	vmul.f32 $1.023000000e+03, v24  }
0x3e: {  	v30 =	vadd.s32 $0xC5, v4;
	v31 =	vor.u32 $0x180, v0;
	v25 =	vmul.f32 $1.023000000e+03, v25  }
0x3f: {  	v36 =	vor.u32 $0x183, v0;
	v35 =	vmul.f32 $1.023000000e+03, v33;
	v24 =	vtrunc.f32 v24  }
0x40: {  	v26 =	vadd.s32 $0xC0, v4;
	v37 =	vcvt.f32.s32 v24;
	v24 =	vmul.f32 $1.023000000e+03, v34  }
0x41: {  	v33 =	vor.u32 $0x181, v0;
	v25 =	vtrunc.f32 v25;
	v35 =	vtrunc.f32 v35  }
0x42: {  	v34 =	vor.u32 $0x182, v0;
	v25 =	vcvt.f32.s32 v25;
	v24 =	vtrunc.f32 v24  }
0x43: {  	s12 =	ssub.s32 $0x2, s12;
	v35 =	vcvt.f32.s32 v35;
	vm10 =	vgt.s32 v37, $0x0;
	v38 =	vcvt.f32.s32 v24  }
0x44: {  	s14 =	sshrl.u32 s12, $0x1;
	vm11 =	vgt.s32 v25, $0x0;
	v24 =	vadd.s32 $0x120, v4;
	v37 =	vnsel vm10, $0x0, v37  }
0x45: {  	s14 =	ssub.s32 s12, s14;
	vm12 =	vgt.s32 v35, $0x0;
	v39 =	vnsel vm11, $0x0, v25;
	vm13 =	vgt.s32 v38, $0x0  }
0x46: {  	s13 =	smul.u32 $0x6000, s11;
	s22 =	smax.u32 s14, $0x1;
	v35 =	vnsel vm12, $0x0, v35;
	v37 =	vmin.u32 v37, $0x3FF;
	v38 =	vnsel vm13, $0x0, v38  }
0x47: {  	s18 =	simm.s32 $0x1;
	s11 =	smul.u32 $0xC00, s11;
	p0 =	sne.s32 s22, $0x1;
	v61 =	vmin.u32 v39, $0x3FF;
	v40 =	vmin.u32 v35, $0x3FF;
	v60 =	vmin.u32 v38, $0x3FF  }
.Ltmp0:
0x48: {  	s15 =	simm.s32 $0x380;
	s19 =	simm.s32 $0x280;
	v41 =	vor.u32 $0x400, v40;
	v40 =	vsub.s32 v61, v40;
	v62 =	vsub.s32 v37, v60;
	[tilespmem:v26+s4+$0x0] =	vst.idx.msk $0xffff, v60;
	(pc) =	sbr.rel @!p0 .LBB2_2-.Ltmp0, $4  }
0x49: {  	s21 =	simm.s32 $0x300;
	s17 =	simm.s32 $0x4380;
	s20 =	simm.s32 $0x2;
	v25 =	vadd.s32 $0x121, v4;
	vm15 =	vgt.s32 v40, $0x0;
	vm14 =	vgt.s32 v62, $0x0;
	[tilespmem:v27+s4+$0x0] =	vst.idx.msk $0xffff, v41  }
0x4a: {  	s16 =	simm.s32 $0x3;
	s13 =	sshrl.u32 s13, $0x3;
	s12 =	sadd.s32 s10, s11;
	v38 =	vor.u32 $0x400, v61;
	v40 =	vnsel vm15, $0x0, v40;
	v39 =	vnsel vm14, $0x0, v62;
	[tilespmem:v28+s4+$0x0] =	vst.idx.msk $0xffff, v37  }
0x4b: {  	s14 =	simm.s32 $0x80;
	s13 =	sadd.s32 s10, s13;
	s22 =	sadd.s32 $0xFFFFFFFF, s22;
	v35 =	vadd.s32 $0x122, v4;
	v40 =	vor.u32 $0xC00, v40;
	[tilespmem:v29+s4+$0x0] =	vst.idx.msk $0xffff, v38;
	v63 =	vor.u32 $0x800, v39  }
0x4c: {  	s11 =	sadd.s32 $0x400, s13;
	s10 =	sadd.s32 $0x800, s13;
	s13 =	simm.s32 $0x2380;
	v37 =	vadd.s32 $0x123, v4;
	v38 =	vadd.s32 $0x124, v4;
	v39 =	vadd.s32 $0x125, v4;
	[tilespmem:v32+s4+$0x0] =	vst.idx.msk $0xffff, v63  }
.LBB2_1:
0x4d: {  	p0 =	sne.s32 s22, $0x1;
	s22 =	sadd.s32 $0xFFFFFFFF, s22;
	[tilespmem:v30+s4+$0x0] =	vst.idx.msk $0xffff, v40  }
0x4e: {  	v40 =	vld.idx.msk [tilespmem:v36+s2+$0x0], $0xffff  }
0x4f: {  	v41 =	vld.idx.msk [tilespmem:v31+s2+$0x0], $0xffff  }
0x50: {  	v42 =	vld.idx.msk [tilespmem:v34+s2+$0x0], $0xffff  }
0x51: {  	v43 =	vld.idx.msk [tilespmem:v33+s2+$0x0], $0xffff;
	_ =	sdelay $0x2  }
0x52: {  	v40 =	vmul.f32 $1.023000000e+03, v40  }
0x53: {  	v41 =	vmul.f32 $1.023000000e+03, v41  }
0x54: {  	v42 =	vmul.f32 $1.023000000e+03, v42;
	v40 =	vtrunc.f32 v40  }
0x55: {  	v41 =	vtrunc.f32 v41;
	v43 =	vmul.f32 $1.023000000e+03, v43  }
0x56: {  	v41 =	vcvt.f32.s32 v41;
	v42 =	vtrunc.f32 v42  }
0x57: {  	v43 =	vtrunc.f32 v43;
	v42 =	vcvt.f32.s32 v42  }
0x58: {  	v40 =	vcvt.f32.s32 v40;
	vm0 =	vgt.s32 v41, $0x0;
	v43 =	vcvt.f32.s32 v43  }
0x59: {  	v41 =	vnsel vm0, $0x0, v41;
	vm0 =	vgt.s32 v42, $0x0  }
0x5a: {  	vm1 =	vgt.s32 v43, $0x0;
	v42 =	vnsel vm0, $0x0, v42;
	vm0 =	vgt.s32 v40, $0x0  }
0x5b: {  	v41 =	vmin.u32 v41, $0x3FF;
	v43 =	vnsel vm1, $0x0, v43;
	v40 =	vnsel vm0, $0x0, v40  }
0x5c: {  	v42 =	vmin.u32 v42, $0x3FF;
	v43 =	vmin.u32 v43, $0x3FF;
	v40 =	vmin.u32 v40, $0x3FF  }
0x5d: {  	v44 =	vsub.s32 v42, v41;
	v45 =	vsub.s32 v40, v43;
	[tilespmem:v24+s4+$0x0] =	vst.idx.msk $0xffff, v41;
	v41 =	vor.u32 $0x400, v43  }
0x5e: {  	vm0 =	vgt.s32 v44, $0x0;
	vm1 =	vgt.s32 v45, $0x0;
	[tilespmem:v25+s4+$0x0] =	vst.idx.msk $0xffff, v41  }
0x5f: {  	v40 =	vor.u32 $0x400, v40;
	v41 =	vnsel vm0, $0x0, v44;
	v43 =	vnsel vm1, $0x0, v45;
	[tilespmem:v35+s4+$0x0] =	vst.idx.msk $0xffff, v42  }
0x60: {  	[tilespmem:v37+s4+$0x0] =	vst.idx.msk $0xffff, v40;
	v40 =	vor.u32 $0x800, v41;
	v41 =	vor.u32 $0xC00, v43  }
0x61: {  	[tilespmem:v38+s4+$0x0] =	vst.idx.msk $0xffff, v40  }
0x62: {  	[tilespmem:v39+s4+$0x0] =	vst.idx.msk $0xffff, v41  }
0x63: {  	_ =	swait.ge [sflag:s18], $0x800  }
0x64: {  	[sflag:s18] =	ssyncset.done $0x0  }
0x65: {  	[sflag:s18] =	ssyncadd.s32 $0xFFFFF800  }
0x66: {  	[bflag:$0x0] =	sbarrier.arrive $0xFFFF  }
0x67: {  	[tilespmem:s15], [sflag:$0x2] =	stream.indirect.gather [spmem:s3], $0x40, s4, s14, $0xb8;
	[tilespmem:$0xA380] =	vst v63  }
0x68: {  	_ = 	snop  }
0x69: {  	[tilespmem:s13], [sflag:$0x2] =	stream.indirect.gather [spmem:s3], $0x40, s19, s14, $0xb8;
	[tilespmem:$0xA380] =	vst v63  }
0x6a: {  	_ = 	snop  }
0x6b: {  	[tilespmem:s17], [sflag:$0x2] =	stream.indirect.gather [spmem:s3], $0x40, s21, s14, $0xb8;
	[tilespmem:$0xA380] =	vst v63  }
0x6c: {  	_ =	swait.ge [sflag:s20], $0x2000  }
0x6d: {  	[sflag:s20] =	ssyncset.done $0x0  }
0x6e: {  	[sflag:s20] =	ssyncadd.s32 $0xFFFFE000  }
0x6f: {  	[hbm4b:s12+s2] =	stream.linear.scatter [tilespmem:s15], [sflag:$0x3], $0x2000, $0x38;
	[tilespmem:$0xA380] =	vst v63  }
0x70: {  	_ =	swait.ge [sflag:s20], $0x2000  }
0x71: {  	[sflag:s20] =	ssyncset.done $0x0  }
0x72: {  	[sflag:s20] =	ssyncadd.s32 $0xFFFFE000  }
0x73: {  	[hbm4b:s11+s2] =	stream.linear.scatter [tilespmem:s13], [sflag:$0x3], $0x2000, $0x38;
	[tilespmem:$0xA380] =	vst v63  }
0x74: {  	_ =	swait.ge [sflag:s20], $0x2000  }
0x75: {  	[sflag:s20] =	ssyncset.done $0x0  }
0x76: {  	[sflag:s20] =	ssyncadd.s32 $0xFFFFE000  }
0x77: {  	[hbm4b:s10+s2] =	stream.linear.scatter [tilespmem:s17], [sflag:$0x3], $0x2000, $0x38;
	[tilespmem:$0xA380] =	vst v63  }
0x78: {  	_ =	swait.ge [sflag:s16], $0x2000  }
0x79: {  	[sflag:s16] =	ssyncset.done $0x0  }
0x7a: {  	[sflag:s16] =	ssyncadd.s32 $0xFFFFE000  }
0x7b: {  	_ =	swait.ge [sflag:s16], $0x2000  }
0x7c: {  	[sflag:s16] =	ssyncset.done $0x0  }
0x7d: {  	[sflag:s16] =	ssyncadd.s32 $0xFFFFE000  }
0x7e: {  	_ =	swait.ge [sflag:s16], $0x2000  }
0x7f: {  	[sflag:s16] =	ssyncset.done $0x0  }
0x80: {  	[sflag:s16] =	ssyncadd.s32 $0xFFFFE000  }
0x81: {  	[spmem:s8], [sflag:s6] =	dma.local [hbm:s5], $0x800  }
0x82: {  	[tilespmem:s2], [sflag:$0x4] =	stream.linear.gather [hbm4b:s7+s2], $0x200, $0x38;
	[tilespmem:$0xA380] =	vst v63  }
0x83: {  	_ =	swait.ge [sflag:s9], $0x200  }
0x84: {  	[sflag:s9] =	ssyncset.done $0x0  }
0x85: {  	[sflag:s9] =	ssyncadd.s32 $0xFFFFFE00  }
0x86: {  	v40 =	vld.idx.msk [tilespmem:v1+s2+$0x0], $0xffff  }
0x87: {  	v41 =	vld.idx.msk [tilespmem:v0+s2+$0x0], $0xffff  }
0x88: {  	v42 =	vld.idx.msk [tilespmem:v2+s2+$0x0], $0xffff  }
0x89: {  	v43 =	vld.idx.msk [tilespmem:v3+s2+$0x0], $0xffff;
	_ =	sdelay $0x2  }
0x8a: {  	v40 =	vmul.f32 $1.023000000e+03, v40  }
0x8b: {  	v41 =	vmul.f32 $1.023000000e+03, v41  }
0x8c: {  	v40 =	vtrunc.f32 v40  }
0x8d: {  	v42 =	vmul.f32 $1.023000000e+03, v42;
	v40 =	vcvt.f32.s32 v40  }
0x8e: {  	v41 =	vtrunc.f32 v41;
	v43 =	vmul.f32 $1.023000000e+03, v43  }
0x8f: {  	v41 =	vcvt.f32.s32 v41;
	v42 =	vtrunc.f32 v42  }
0x90: {  	v42 =	vcvt.f32.s32 v42;
	vm0 =	vgt.s32 v40, $0x0;
	v43 =	vtrunc.f32 v43  }
0x91: {  	vm1 =	vgt.s32 v41, $0x0;
	v40 =	vnsel vm0, $0x0, v40;
	v43 =	vcvt.f32.s32 v43  }
0x92: {  	v41 =	vnsel vm1, $0x0, v41;
	vm0 =	vgt.s32 v42, $0x0;
	v40 =	vmin.u32 v40, $0x3FF  }
0x93: {  	v41 =	vmin.u32 v41, $0x3FF;
	v42 =	vnsel vm0, $0x0, v42;
	vm0 =	vgt.s32 v43, $0x0  }
0x94: {  	v42 =	vmin.u32 v42, $0x3FF;
	v43 =	vnsel vm0, $0x0, v43;
	v44 =	vsub.s32 v40, v41;
	[tilespmem:v4+s4+$0x0] =	vst.idx.msk $0xffff, v41  }
0x95: {  	vm0 =	vgt.s32 v44, $0x0;
	v41 =	vmin.u32 v43, $0x3FF;
	v43 =	vor.u32 $0x400, v42  }
0x96: {  	v44 =	vnsel vm0, $0x0, v44;
	v42 =	vsub.s32 v41, v42;
	[tilespmem:v5+s4+$0x0] =	vst.idx.msk $0xffff, v43  }
0x97: {  	vm0 =	vgt.s32 v42, $0x0;
	[tilespmem:v6+s4+$0x0] =	vst.idx.msk $0xffff, v40;
	v40 =	vor.u32 $0x400, v41  }
0x98: {  	v41 =	vnsel vm0, $0x0, v42;
	[tilespmem:v7+s4+$0x0] =	vst.idx.msk $0xffff, v40;
	v40 =	vor.u32 $0x800, v44  }
0x99: {  	[tilespmem:v8+s4+$0x0] =	vst.idx.msk $0xffff, v40;
	v40 =	vor.u32 $0xC00, v41  }
0x9a: {  	[tilespmem:v9+s4+$0x0] =	vst.idx.msk $0xffff, v40  }
0x9b: {  	v40 =	vld.idx.msk [tilespmem:v10+s2+$0x0], $0xffff  }
0x9c: {  	v41 =	vld.idx.msk [tilespmem:v11+s2+$0x0], $0xffff  }
0x9d: {  	v42 =	vld.idx.msk [tilespmem:v12+s2+$0x0], $0xffff  }
0x9e: {  	v43 =	vld.idx.msk [tilespmem:v13+s2+$0x0], $0xffff;
	_ =	sdelay $0x2  }
0x9f: {  	v40 =	vmul.f32 $1.023000000e+03, v40  }
0xa0: {  	v41 =	vmul.f32 $1.023000000e+03, v41  }
0xa1: {  	v40 =	vtrunc.f32 v40;
	v42 =	vmul.f32 $1.023000000e+03, v42  }
0xa2: {  	v40 =	vcvt.f32.s32 v40;
	v43 =	vmul.f32 $1.023000000e+03, v43  }
0xa3: {  	v41 =	vtrunc.f32 v41;
	v42 =	vtrunc.f32 v42  }
0xa4: {  	v41 =	vcvt.f32.s32 v41;
	vm0 =	vgt.s32 v40, $0x0;
	v43 =	vtrunc.f32 v43  }
0xa5: {  	v42 =	vcvt.f32.s32 v42;
	v40 =	vnsel vm0, $0x0, v40;
	v43 =	vcvt.f32.s32 v43  }
0xa6: {  	vm0 =	vgt.s32 v41, $0x0  }
0xa7: {  	v41 =	vnsel vm0, $0x0, v41;
	vm0 =	vgt.s32 v42, $0x0;
	vm1 =	vgt.s32 v43, $0x0  }
0xa8: {  	v40 =	vmin.u32 v40, $0x3FF;
	v42 =	vnsel vm0, $0x0, v42;
	v43 =	vnsel vm1, $0x0, v43  }
0xa9: {  	v41 =	vmin.u32 v41, $0x3FF;
	v42 =	vmin.u32 v42, $0x3FF;
	v43 =	vmin.u32 v43, $0x3FF  }
0xaa: {  	v44 =	vsub.s32 v41, v40;
	v45 =	vsub.s32 v42, v43;
	[tilespmem:v14+s4+$0x0] =	vst.idx.msk $0xffff, v40;
	v40 =	vor.u32 $0x400, v43  }
0xab: {  	vm0 =	vgt.s32 v44, $0x0;
	vm1 =	vgt.s32 v45, $0x0;
	[tilespmem:v15+s4+$0x0] =	vst.idx.msk $0xffff, v40  }
0xac: {  	v40 =	vnsel vm0, $0x0, v44;
	v43 =	vnsel vm1, $0x0, v45;
	[tilespmem:v16+s4+$0x0] =	vst.idx.msk $0xffff, v41;
	v41 =	vor.u32 $0x400, v42  }
0xad: {  	v40 =	vor.u32 $0x800, v40;
	[tilespmem:v17+s4+$0x0] =	vst.idx.msk $0xffff, v41  }
0xae: {  	[tilespmem:v18+s4+$0x0] =	vst.idx.msk $0xffff, v40;
	v40 =	vor.u32 $0xC00, v43  }
0xaf: {  	[tilespmem:v19+s4+$0x0] =	vst.idx.msk $0xffff, v40  }
0xb0: {  	v40 =	vld.idx.msk [tilespmem:v20+s2+$0x0], $0xffff  }
0xb1: {  	v41 =	vld.idx.msk [tilespmem:v21+s2+$0x0], $0xffff;
	_ =	sdelay $0x1  }
0xb2: {  	v42 =	vld.idx.msk [tilespmem:v22+s2+$0x0], $0xffff  }
0xb3: {  	v43 =	vld.idx.msk [tilespmem:v23+s2+$0x0], $0xffff;
	_ =	sdelay $0x1  }
0xb4: {  	v40 =	vmul.f32 $1.023000000e+03, v40  }
0xb5: {  	v41 =	vmul.f32 $1.023000000e+03, v41  }
0xb6: {  	v40 =	vtrunc.f32 v40  }
0xb7: {  	v42 =	vmul.f32 $1.023000000e+03, v42;
	v40 =	vcvt.f32.s32 v40  }
0xb8: {  	v41 =	vtrunc.f32 v41;
	v43 =	vmul.f32 $1.023000000e+03, v43  }
0xb9: {  	v41 =	vcvt.f32.s32 v41;
	v42 =	vtrunc.f32 v42;
	vm0 =	vgt.s32 v40, $0x0  }
0xba: {  	v43 =	vtrunc.f32 v43;
	v42 =	vcvt.f32.s32 v42;
	v40 =	vnsel vm0, $0x0, v40  }
0xbb: {  	vm0 =	vgt.s32 v41, $0x0;
	v43 =	vcvt.f32.s32 v43  }
0xbc: {  	v41 =	vnsel vm0, $0x0, v41;
	vm1 =	vgt.s32 v42, $0x0  }
0xbd: {  	vm0 =	vgt.s32 v43, $0x0;
	v42 =	vnsel vm1, $0x0, v42  }
0xbe: {  	v41 =	vmin.u32 v41, $0x3FF;
	v43 =	vnsel vm0, $0x0, v43;
	v42 =	vmin.u32 v42, $0x3FF  }
0xbf: {  	v40 =	vmin.u32 v40, $0x3FF;
	v43 =	vmin.u32 v43, $0x3FF;
	v44 =	vsub.s32 v41, v42  }
.Ltmp1:
0xc0: {  	v42 =	vor.u32 $0x400, v42;
	v45 =	vsub.s32 v40, v43;
	vm0 =	vgt.s32 v44, $0x0;
	[tilespmem:v26+s4+$0x0] =	vst.idx.msk $0xffff, v43;
	(pc) =	sbr.rel @p0 .LBB2_1-.Ltmp1, $4  }
0xc1: {  	vm1 =	vgt.s32 v45, $0x0;
	v43 =	vnsel vm0, $0x0, v44;
	[tilespmem:v27+s4+$0x0] =	vst.idx.msk $0xffff, v42  }
0xc2: {  	v42 =	vnsel vm1, $0x0, v45;
	[tilespmem:v28+s4+$0x0] =	vst.idx.msk $0xffff, v40;
	v40 =	vor.u32 $0x400, v41  }
0xc3: {  	[tilespmem:v29+s4+$0x0] =	vst.idx.msk $0xffff, v40;
	v40 =	vor.u32 $0x800, v42  }
0xc4: {  	[tilespmem:v32+s4+$0x0] =	vst.idx.msk $0xffff, v40;
	v40 =	vor.u32 $0xC00, v43  }
.LBB2_2:
0xc5: {  	_ =	sdelay $0x3  }
0xc6: {  	[tilespmem:v30+s4+$0x0] =	vst.idx.msk $0xffff, v40  }
0xc7: {  	v0 =	vld.idx.msk [tilespmem:v36+s2+$0x0], $0xffff  }
0xc8: {  	v1 =	vld.idx.msk [tilespmem:v31+s2+$0x0], $0xffff  }
0xc9: {  	v2 =	vld.idx.msk [tilespmem:v34+s2+$0x0], $0xffff  }
0xca: {  	v3 =	vld.idx.msk [tilespmem:v33+s2+$0x0], $0xffff;
	_ =	sdelay $0x3  }
0xcb: {  	v1 =	vmul.f32 $1.023000000e+03, v1;
	v2 =	vmul.f32 $1.023000000e+03, v2  }
0xcc: {  	v0 =	vmul.f32 $1.023000000e+03, v0;
	v3 =	vmul.f32 $1.023000000e+03, v3  }
0xcd: {  	v1 =	vtrunc.f32 v1;
	v2 =	vtrunc.f32 v2  }
0xce: {  	v3 =	vtrunc.f32 v3;
	v0 =	vtrunc.f32 v0  }
0xcf: {  	v1 =	vcvt.f32.s32 v1;
	v2 =	vcvt.f32.s32 v2  }
0xd0: {  	v3 =	vcvt.f32.s32 v3;
	v0 =	vcvt.f32.s32 v0  }
0xd1: {  	vm0 =	vgt.s32 v1, $0x0;
	vm1 =	vgt.s32 v2, $0x0  }
0xd2: {  	vm12 =	vgt.s32 v3, $0x0;
	vm13 =	vgt.s32 v0, $0x0;
	v1 =	vnsel vm0, $0x0, v1  }
0xd3: {  	v2 =	vnsel vm1, $0x0, v2;
	v3 =	vnsel vm12, $0x0, v3;
	v0 =	vnsel vm13, $0x0, v0  }
0xd4: {  	v1 =	vmin.u32 v1, $0x3FF;
	v3 =	vmin.u32 v3, $0x3FF;
	v2 =	vmin.u32 v2, $0x3FF  }
0xd5: {  	v0 =	vmin.u32 v0, $0x3FF;
	v4 =	vsub.s32 v2, v1;
	[tilespmem:v24+s4+$0x0] =	vst.idx.msk $0xffff, v1;
	v59 =	vor.u32 $0x400, v3  }
0xd6: {  	v3 =	vsub.s32 v0, v3;
	vm14 =	vgt.s32 v4, $0x0;
	[tilespmem:v25+s4+$0x0] =	vst.idx.msk $0xffff, v59  }
0xd7: {  	v0 =	vor.u32 $0x400, v0;
	vm15 =	vgt.s32 v3, $0x0;
	v60 =	vnsel vm14, $0x0, v4;
	[tilespmem:v35+s4+$0x0] =	vst.idx.msk $0xffff, v2  }
0xd8: {  	v61 =	vnsel vm15, $0x0, v3;
	[tilespmem:v37+s4+$0x0] =	vst.idx.msk $0xffff, v0;
	v62 =	vor.u32 $0x800, v60  }
0xd9: {  	v63 =	vor.u32 $0xC00, v61;
	[tilespmem:v38+s4+$0x0] =	vst.idx.msk $0xffff, v62  }
0xda: {  	[tilespmem:v39+s4+$0x0] =	vst.idx.msk $0xffff, v63  }
0xdb: {  	_ =	swait.ge [sflag:s18], $0x800  }
0xdc: {  	[sflag:s18] =	ssyncset.done $0x0  }
0xdd: {  	[sflag:s18] =	ssyncadd.s32 $0xFFFFF800  }
0xde: {  	[bflag:$0x0] =	sbarrier.arrive $0xFFFF  }
0xdf: {  	[tilespmem:s15], [sflag:$0x2] =	stream.indirect.gather [spmem:s3], $0x40, s4, s14, $0xb8;
	[tilespmem:$0xA380] =	vst v63  }
0xe0: {  	_ = 	snop  }
0xe1: {  	[tilespmem:s13], [sflag:$0x2] =	stream.indirect.gather [spmem:s3], $0x40, s19, s14, $0xb8;
	[tilespmem:$0xA380] =	vst v63  }
0xe2: {  	_ = 	snop  }
0xe3: {  	[tilespmem:s17], [sflag:$0x2] =	stream.indirect.gather [spmem:s3], $0x40, s21, s14, $0xb8;
	[tilespmem:$0xA380] =	vst v63  }
0xe4: {  	_ =	swait.ge [sflag:s20], $0x2000  }
0xe5: {  	[sflag:s20] =	ssyncset.done $0x0  }
0xe6: {  	[sflag:s20] =	ssyncadd.s32 $0xFFFFE000  }
0xe7: {  	[hbm4b:s12+s2] =	stream.linear.scatter [tilespmem:s15], [sflag:$0x3], $0x2000, $0x38;
	[tilespmem:$0xA380] =	vst v63  }
0xe8: {  	_ =	swait.ge [sflag:s20], $0x2000  }
0xe9: {  	[sflag:s20] =	ssyncset.done $0x0  }
0xea: {  	[sflag:s20] =	ssyncadd.s32 $0xFFFFE000  }
0xeb: {  	[hbm4b:s11+s2] =	stream.linear.scatter [tilespmem:s13], [sflag:$0x3], $0x2000, $0x38;
	[tilespmem:$0xA380] =	vst v63  }
0xec: {  	_ =	swait.ge [sflag:s20], $0x2000  }
0xed: {  	[sflag:s20] =	ssyncset.done $0x0  }
0xee: {  	[sflag:s20] =	ssyncadd.s32 $0xFFFFE000  }
0xef: {  	[hbm4b:s10+s2] =	stream.linear.scatter [tilespmem:s17], [sflag:$0x3], $0x2000, $0x38;
	[tilespmem:$0xA380] =	vst v63  }
0xf0: {  	_ =	swait.ge [sflag:s16], $0x2000  }
0xf1: {  	[sflag:s16] =	ssyncset.done $0x0  }
0xf2: {  	[sflag:s16] =	ssyncadd.s32 $0xFFFFE000  }
0xf3: {  	_ =	swait.ge [sflag:s16], $0x2000  }
0xf4: {  	[sflag:s16] =	ssyncset.done $0x0  }
0xf5: {  	[sflag:s16] =	ssyncadd.s32 $0xFFFFE000  }
0xf6: {  	_ =	swait.ge [sflag:s16], $0x2000  }
0xf7: {  	[sflag:s16] =	ssyncset.done $0x0  }
0xf8: {  	[sflag:s16] =	ssyncadd.s32 $0xFFFFE000  }
0xf9: {  	_ =	sfence.sel $0x180000  }
0xfa: {  	[bflag:$0x0] =	sbarrier.arrive $0xFFFF  }
0xfb: {  	p0 =	sne.s32 s0, $0x0;
	_ =	strace $0x9000004A  }
0xfc: {  	s0 =	sadd.s32 @!p0 $0x100000, s1;
	[bflag:$0x2] =	sbarrier.arrive $0xFFFF  }
0xfd: {  	[sflag:s0] =	ssyncadd.tile.s32 @!p0 $0x1;
	_ =	shalt  }
.Lfunc_end2:
_tile_overlayer_lowered:
.L_overlay_start_2:
0xfe: {  	(tag) =	ssettag $0x2  }
0xff: {  	s0 =	rddreg [dreg:$0x0];
	s2 =	stileid.u32  }
0x100: {  	s1 =	rddreg [dreg:$0x1];
	p0 =	sne.s32 s2, $0x0  }
0x101: {  	s3 =	rddreg [dreg:$0x2];
	[bflag:$0x3] =	sbarrier.arrive $0xFFFF;
	s2 =	simm.s32 @!p0 $0x1C04  }
0x102: {  	[timem:s3], [sflag:s2] =	dma.local @!p0 [hbm:s0], s1  }
0x103: {  	s0 =	simm.s32 @!p0 $0x4  }
0x104: {  	_ =	swait.ge @!p0 [sflag:s0], s1  }
0x105: {  	s1 =	ssub.s32 @!p0 $0x0, s1;
	[sflag:s0] =	ssyncset.done @!p0 $0x0  }
0x106: {  	[sflag:s0] =	ssyncadd.s32 @!p0 s1  }
0x107: {  	[bflag:$0x3] =	sbarrier.arrive $0xFFFF  }
0x108: {  	_ =	shalt  }

</sc_bundles>
